<compile_context>
chip_gen: v7x
topology: tpu7x:2x2x1
jax: 0.10.2.dev20260603
libtpu: 0.0.44.dev20260713+nightly
codegen_flags: <defaults>
</compile_context>

<pallas_src>
import jax
import jax.numpy as jnp
from jax import lax
from jax.experimental import pallas as pl
from jax.experimental.pallas import tpu as pltpu
from jax.experimental.pallas import tpu_sc as plsc

B = 16384
D = 64
VT = 100000
VC = 1000
NC, NS = 2, 16
NW = NC * NS
FPW = D // NW
CHUNK = 4096
NCHUNK = B // CHUNK
LANES = 16


UNROLL = 8


def _body(pt_hbm, pc_hbm, pidx_hbm, out_hbm,
          row_v, crow_v, pidx_v, outc_v, sem_in, sem_out):
    wid = lax.axis_index("s") * NC + lax.axis_index("c")
    tmask = jnp.int32((1 << 17) - 1)
    ngl = FPW * NCHUNK
    idx_cps = {0: pltpu.async_copy(
        pidx_hbm.at[pl.ds(0, CHUNK)], pidx_v.at[0], sem_in)}
    out_pending = []
    for j in range(FPW):
        f = wid * FPW + j
        row_cp = pltpu.async_copy(pt_hbm.at[f], row_v, sem_in)
        crow_cp = pltpu.async_copy(pc_hbm.at[f], crow_v, sem_in)
        row_cp.wait()
        crow_cp.wait()
        for ch in range(NCHUNK):
            g = j * NCHUNK + ch
            s = g % 2
            so = g % 4
            idx_cps.pop(g).wait()
            if g + 1 < ngl:
                nsl = pl.ds(((g + 1) % NCHUNK) * CHUNK, CHUNK)
                idx_cps[g + 1] = pltpu.async_copy(
                    pidx_hbm.at[nsl], pidx_v.at[1 - s], sem_in)
            while len(out_pending) >= 4:
                out_pending.pop(0).wait()

            @plsc.parallel_loop(0, CHUNK // LANES, step=1, unroll=UNROLL)
            def gloop(i):
                sl = pl.ds(i * LANES, LANES)
                pk = pidx_v[s, sl]
                tv = plsc.load_gather(row_v, [pk & tmask])
                cv = plsc.load_gather(
                    crow_v, [lax.shift_right_logical(pk, 17)])
                outc_v[so, sl] = tv + cv
            out_pending.append(pltpu.async_copy(
                outc_v.at[so], out_hbm.at[f, pl.ds(ch * CHUNK, CHUNK)], sem_out))
    for cp in out_pending:
        cp.wait()


def kernel(team_skill, conf_skill, team, conf):
    pt = team_skill.T
    pc = conf_skill.T
    tidx = team.reshape(-1).astype(jnp.int32)
    cidx = conf.reshape(-1).astype(jnp.int32)
    pidx = tidx | (cidx << 17)
    mesh = plsc.VectorSubcoreMesh(
        core_axis_name="c", subcore_axis_name="s",
        num_cores=NC, num_subcores=NS)
    f = pl.kernel(
        _body,
        out_type=jax.ShapeDtypeStruct((D, B), jnp.float32),
        mesh=mesh,
        scratch_types=[
            pltpu.VMEM((VT,), jnp.float32),
            pltpu.VMEM((VC,), jnp.float32),
            pltpu.VMEM((2, CHUNK), jnp.int32),
            pltpu.VMEM((4, CHUNK), jnp.float32),
            pltpu.SemaphoreType.DMA,
            pltpu.SemaphoreType.DMA,
        ],
        compiler_params=pltpu.CompilerParams(
            use_tc_tiling_on_sc=True, needs_layout_passes=False),
    )
    out_t = f(pt, pc, pidx)
    return out_t.T

# --- scband reference (transcript-rebuilt; emitter-appended) ---
"""Pipeline reference for scband-team-plus-conf-75239237091406 (READ-ONLY COPY).

The authoritative reference and input builder live on the scoring server;
editing this copy changes nothing except your own understanding.
"""

import jax, jax.numpy as jnp
import numpy as np

CONF_WEIGHT = 1.0

def setup_inputs(seed: int = 0) -> dict:
    key = jax.random.key(seed)
    k1, k2, k3, k4 = jax.random.split(key, 4)
    team_skill = jax.random.normal(k1, (100000, 64), dtype=jnp.float32)
    conf_skill = jax.random.normal(k2, (1000, 64), dtype=jnp.float32)
    team = jax.random.randint(k3, (16384,), 0, 100000, dtype=jnp.int64)
    conf = jax.random.randint(k4, (16384,), 0, 1000, dtype=jnp.int64)
    return {"team_skill": team_skill, "conf_skill": conf_skill, "team": team, "conf": conf}

def reference(team_skill, conf_skill, team, conf):
    # team_skill[team.view(-1), :] + conf_weight * conf_skill[conf.view(-1), :]
    t = jnp.take(team_skill, team.reshape(-1), axis=0)
    c = jnp.take(conf_skill, conf.reshape(-1), axis=0)
    return t + CONF_WEIGHT * c

if __name__ == "__main__":
    import jax
    _d = setup_inputs()
    print(jax.jit(kernel)(*tuple(_d.values())))

</pallas_src>

<mosaic_0001>
#map = affine_map<(d0, d1) -> (0, 0)>
#map1 = affine_map<(d0, d1) -> (0)>
module attributes {stable_mosaic.version = 14 : i64} {
  func.func @_body(%arg0: i32, %arg1: i32, %arg2: memref<64x100000xf32, #tpu.memory_space<hbm>>, %arg3: memref<64x1000xf32, #tpu.memory_space<hbm>>, %arg4: memref<16384xi32, #tpu.memory_space<hbm>>, %arg5: memref<64x16384xf32, #tpu.memory_space<hbm>>, %arg6: memref<100000xf32, #tpu.memory_space<vmem>>, %arg7: memref<1000xf32, #tpu.memory_space<vmem>>, %arg8: memref<2x4096xi32, #tpu.memory_space<vmem>>, %arg9: memref<4x4096xf32, #tpu.memory_space<vmem>>, %arg10: memref<!tpu.dma_semaphore, #tpu.memory_space<semaphore_mem>>, %arg11: memref<!tpu.dma_semaphore, #tpu.memory_space<semaphore_mem>>) attributes {dimension_semantics = [#tpu.dimension_semantics<core_parallel>, #tpu.dimension_semantics<subcore_parallel>], iteration_bounds = array<i64: 2, 16>, scalar_prefetch = 0 : i64, scratch_operands = 6 : i64, tpu.core_type = #tpu.core_type<sc_vector_subcore>, window_params = [{transform_indices = #map}, {transform_indices = #map}, {transform_indices = #map1}, {transform_indices = #map}]} {
    %mul3A = arith.constant 2 : i32
    %mul3A_0 = arith.muli %arg1, %mul3A : i32
    %add3A = arith.addi %mul3A_0, %arg0 : i32
    %dma_start3A = arith.constant 0 : i32
    %dma_start3A_1 = arith.constant 0 : i32
    %dma_start3A_2 = tpu.memref_slice %arg8[%dma_start3A, %dma_start3A_1] : memref<2x4096xi32, #tpu.memory_space<vmem>> -> memref<1x4096xi32, #tpu.memory_space<vmem>>
    %dma_start3A_3 = tpu.memref_squeeze %dma_start3A_2 : memref<1x4096xi32, #tpu.memory_space<vmem>> -> memref<4096xi32, #tpu.memory_space<vmem>>
    %dma_start3A_4 = arith.constant 0 : i32
    %dma_start3A_5 = tpu.memref_slice %arg4[%dma_start3A_4] : memref<16384xi32, #tpu.memory_space<hbm>> -> memref<4096xi32, #tpu.memory_space<hbm>>
    %dma_start3A_6 = arith.constant 0 : i32
    %dma_start3A_7 = tpu.memref_slice %arg8[%dma_start3A, %dma_start3A_6] : memref<2x4096xi32, #tpu.memory_space<vmem>> -> memref<1x4096xi32, #tpu.memory_space<vmem>>
    %dma_start3A_8 = tpu.memref_squeeze %dma_start3A_7 : memref<1x4096xi32, #tpu.memory_space<vmem>> -> memref<4096xi32, #tpu.memory_space<vmem>>
    %dma_start3A_9 = arith.constant 0 : i32
    %dma_start3A_10 = tpu.memref_slice %arg4[%dma_start3A_9] : memref<16384xi32, #tpu.memory_space<hbm>> -> memref<4096xi32, #tpu.memory_space<hbm>>
    tpu.enqueue_dma source(%dma_start3A_10 : memref<4096xi32, #tpu.memory_space<hbm>>) target(%dma_start3A_8 : memref<4096xi32, #tpu.memory_space<vmem>>) target_semaphore(%arg10 : memref<!tpu.dma_semaphore, #tpu.memory_space<semaphore_mem>>)
    %mul3A_11 = arith.constant 2 : i32
    %mul3A_12 = arith.muli %add3A, %mul3A_11 : i32
    %add3A_13 = arith.constant 0 : i32
    %add3A_14 = arith.addi %mul3A_12, %add3A_13 : i32
    %dma_start3A_15 = arith.constant 0 : i32
    %dma_start3A_16 = tpu.memref_slice %arg2[%add3A_14, %dma_start3A_15] : memref<64x100000xf32, #tpu.memory_space<hbm>> -> memref<1x100000xf32, #tpu.memory_space<hbm>>
    %dma_start3A_17 = tpu.memref_squeeze %dma_start3A_16 : memref<1x100000xf32, #tpu.memory_space<hbm>> -> memref<100000xf32, #tpu.memory_space<hbm>>
    %dma_start3A_18 = arith.constant 0 : i32
    %dma_start3A_19 = tpu.memref_slice %arg2[%add3A_14, %dma_start3A_18] : memref<64x100000xf32, #tpu.memory_space<hbm>> -> memref<1x100000xf32, #tpu.memory_space<hbm>>
    %dma_start3A_20 = tpu.memref_squeeze %dma_start3A_19 : memref<1x100000xf32, #tpu.memory_space<hbm>> -> memref<100000xf32, #tpu.memory_space<hbm>>
    tpu.enqueue_dma source(%dma_start3A_20 : memref<100000xf32, #tpu.memory_space<hbm>>) target(%arg6 : memref<100000xf32, #tpu.memory_space<vmem>>) target_semaphore(%arg10 : memref<!tpu.dma_semaphore, #tpu.memory_space<semaphore_mem>>)
    %dma_start3A_21 = arith.constant 0 : i32
    %dma_start3A_22 = tpu.memref_slice %arg3[%add3A_14, %dma_start3A_21] : memref<64x1000xf32, #tpu.memory_space<hbm>> -> memref<1x1000xf32, #tpu.memory_space<hbm>>
    %dma_start3A_23 = tpu.memref_squeeze %dma_start3A_22 : memref<1x1000xf32, #tpu.memory_space<hbm>> -> memref<1000xf32, #tpu.memory_space<hbm>>
    %dma_start3A_24 = arith.constant 0 : i32
    %dma_start3A_25 = tpu.memref_slice %arg3[%add3A_14, %dma_start3A_24] : memref<64x1000xf32, #tpu.memory_space<hbm>> -> memref<1x1000xf32, #tpu.memory_space<hbm>>
    %dma_start3A_26 = tpu.memref_squeeze %dma_start3A_25 : memref<1x1000xf32, #tpu.memory_space<hbm>> -> memref<1000xf32, #tpu.memory_space<hbm>>
    tpu.enqueue_dma source(%dma_start3A_26 : memref<1000xf32, #tpu.memory_space<hbm>>) target(%arg7 : memref<1000xf32, #tpu.memory_space<vmem>>) target_semaphore(%arg10 : memref<!tpu.dma_semaphore, #tpu.memory_space<semaphore_mem>>)
    %dma_wait3A = arith.constant 0 : i32
    %dma_wait3A_27 = tpu.memref_slice %arg2[%add3A_14, %dma_wait3A] : memref<64x100000xf32, #tpu.memory_space<hbm>> -> memref<1x100000xf32, #tpu.memory_space<hbm>>
    %dma_wait3A_28 = tpu.memref_squeeze %dma_wait3A_27 : memref<1x100000xf32, #tpu.memory_space<hbm>> -> memref<100000xf32, #tpu.memory_space<hbm>>
    %dma_wait3A_29 = arith.constant 0 : i32
    %dma_wait3A_30 = tpu.memref_slice %arg2[%add3A_14, %dma_wait3A_29] : memref<64x100000xf32, #tpu.memory_space<hbm>> -> memref<1x100000xf32, #tpu.memory_space<hbm>>
    %dma_wait3A_31 = tpu.memref_squeeze %dma_wait3A_30 : memref<1x100000xf32, #tpu.memory_space<hbm>> -> memref<100000xf32, #tpu.memory_space<hbm>>
    tpu.wait_dma2 semaphore(%arg10 : memref<!tpu.dma_semaphore, #tpu.memory_space<semaphore_mem>>) src(%dma_wait3A_31 : memref<100000xf32, #tpu.memory_space<hbm>>) dst(%arg6 : memref<100000xf32, #tpu.memory_space<vmem>>)
    %dma_wait3A_32 = arith.constant 0 : i32
    %dma_wait3A_33 = tpu.memref_slice %arg3[%add3A_14, %dma_wait3A_32] : memref<64x1000xf32, #tpu.memory_space<hbm>> -> memref<1x1000xf32, #tpu.memory_space<hbm>>
    %dma_wait3A_34 = tpu.memref_squeeze %dma_wait3A_33 : memref<1x1000xf32, #tpu.memory_space<hbm>> -> memref<1000xf32, #tpu.memory_space<hbm>>
    %dma_wait3A_35 = arith.constant 0 : i32
    %dma_wait3A_36 = tpu.memref_slice %arg3[%add3A_14, %dma_wait3A_35] : memref<64x1000xf32, #tpu.memory_space<hbm>> -> memref<1x1000xf32, #tpu.memory_space<hbm>>
    %dma_wait3A_37 = tpu.memref_squeeze %dma_wait3A_36 : memref<1x1000xf32, #tpu.memory_space<hbm>> -> memref<1000xf32, #tpu.memory_space<hbm>>
    tpu.wait_dma2 semaphore(%arg10 : memref<!tpu.dma_semaphore, #tpu.memory_space<semaphore_mem>>) src(%dma_wait3A_37 : memref<1000xf32, #tpu.memory_space<hbm>>) dst(%arg7 : memref<1000xf32, #tpu.memory_space<vmem>>)
    %dma_wait3A_38 = arith.constant 0 : i32
    %dma_wait3A_39 = arith.constant 0 : i32
    %dma_wait3A_40 = tpu.memref_slice %arg8[%dma_wait3A_38, %dma_wait3A_39] : memref<2x4096xi32, #tpu.memory_space<vmem>> -> memref<1x4096xi32, #tpu.memory_space<vmem>>
    %dma_wait3A_41 = tpu.memref_squeeze %dma_wait3A_40 : memref<1x4096xi32, #tpu.memory_space<vmem>> -> memref<4096xi32, #tpu.memory_space<vmem>>
    %dma_wait3A_42 = arith.constant 0 : i32
    %dma_wait3A_43 = tpu.memref_slice %arg4[%dma_wait3A_42] : memref<16384xi32, #tpu.memory_space<hbm>> -> memref<4096xi32, #tpu.memory_space<hbm>>
    %dma_wait3A_44 = arith.constant 0 : i32
    %dma_wait3A_45 = tpu.memref_slice %arg8[%dma_wait3A_38, %dma_wait3A_44] : memref<2x4096xi32, #tpu.memory_space<vmem>> -> memref<1x4096xi32, #tpu.memory_space<vmem>>
    %dma_wait3A_46 = tpu.memref_squeeze %dma_wait3A_45 : memref<1x4096xi32, #tpu.memory_space<vmem>> -> memref<4096xi32, #tpu.memory_space<vmem>>
    %dma_wait3A_47 = arith.constant 0 : i32
    %dma_wait3A_48 = tpu.memref_slice %arg4[%dma_wait3A_47] : memref<16384xi32, #tpu.memory_space<hbm>> -> memref<4096xi32, #tpu.memory_space<hbm>>
    tpu.wait_dma2 semaphore(%arg10 : memref<!tpu.dma_semaphore, #tpu.memory_space<semaphore_mem>>) src(%dma_wait3A_48 : memref<4096xi32, #tpu.memory_space<hbm>>) dst(%dma_wait3A_46 : memref<4096xi32, #tpu.memory_space<vmem>>)
    %dma_start3A_49 = arith.constant 1 : i32
    %dma_start3A_50 = arith.constant 0 : i32
    %dma_start3A_51 = tpu.memref_slice %arg8[%dma_start3A_49, %dma_start3A_50] : memref<2x4096xi32, #tpu.memory_space<vmem>> -> memref<1x4096xi32, #tpu.memory_space<vmem>>
    %dma_start3A_52 = tpu.memref_squeeze %dma_start3A_51 : memref<1x4096xi32, #tpu.memory_space<vmem>> -> memref<4096xi32, #tpu.memory_space<vmem>>
    %dma_start3A_53 = arith.constant 4096 : i32
    %dma_start3A_54 = tpu.memref_slice %arg4[%dma_start3A_53] : memref<16384xi32, #tpu.memory_space<hbm>> -> memref<4096xi32, #tpu.memory_space<hbm>>
    %dma_start3A_55 = arith.constant 0 : i32
    %dma_start3A_56 = tpu.memref_slice %arg8[%dma_start3A_49, %dma_start3A_55] : memref<2x4096xi32, #tpu.memory_space<vmem>> -> memref<1x4096xi32, #tpu.memory_space<vmem>>
    %dma_start3A_57 = tpu.memref_squeeze %dma_start3A_56 : memref<1x4096xi32, #tpu.memory_space<vmem>> -> memref<4096xi32, #tpu.memory_space<vmem>>
    %dma_start3A_58 = arith.constant 4096 : i32
    %dma_start3A_59 = tpu.memref_slice %arg4[%dma_start3A_58] : memref<16384xi32, #tpu.memory_space<hbm>> -> memref<4096xi32, #tpu.memory_space<hbm>>
    tpu.enqueue_dma source(%dma_start3A_59 : memref<4096xi32, #tpu.memory_space<hbm>>) target(%dma_start3A_57 : memref<4096xi32, #tpu.memory_space<vmem>>) target_semaphore(%arg10 : memref<!tpu.dma_semaphore, #tpu.memory_space<semaphore_mem>>)
    %parallel_loop3A = arith.constant 0 : i32
    %parallel_loop3A_60 = arith.constant 256 : i32
    %parallel_loop3A_61 = arith.constant 1 : i32
    %parallel_loop3A_62 = arith.constant 131071 : i32
    scf.for %parallel_loop3A_470 = %parallel_loop3A to %parallel_loop3A_60 step %parallel_loop3A_61  : i32 {
      %parallel_loop3A_471 = arith.constant 16 : i32
      %parallel_loop3A_472 = arith.muli %parallel_loop3A_470, %parallel_loop3A_471 : i32
      %parallel_loop3A_473 = arith.constant 0 : i32
      %parallel_loop3A_474 = arith.index_cast %parallel_loop3A_473 : i32 to index
      %parallel_loop3A_475 = arith.index_cast %parallel_loop3A_472 : i32 to index
      %parallel_loop3A_476 = tpu.vector_load %arg8[%parallel_loop3A_474, %parallel_loop3A_475] {strides = array<i32>} : memref<2x4096xi32, #tpu.memory_space<vmem>>, vector<16xi32>,
      %parallel_loop3A_477 = vector.broadcast %parallel_loop3A_62 : i32 to vector<16xi32>
      %parallel_loop3A_478 = arith.andi %parallel_loop3A_476, %parallel_loop3A_477 : vector<16xi32>
      %parallel_loop3A_479 = tpu.vector_load_idx %arg6[%parallel_loop3A_478] : memref<100000xf32, #tpu.memory_space<vmem>>[vector<16xi32>], vector<16xf32>,
      %parallel_loop3A_480 = arith.constant 17 : i32
      %parallel_loop3A_481 = vector.broadcast %parallel_loop3A_480 : i32 to vector<16xi32>
      %parallel_loop3A_482 = arith.shrui %parallel_loop3A_476, %parallel_loop3A_481 : vector<16xi32>
      %parallel_loop3A_483 = tpu.vector_load_idx %arg7[%parallel_loop3A_482] : memref<1000xf32, #tpu.memory_space<vmem>>[vector<16xi32>], vector<16xf32>,
      %parallel_loop3A_484 = arith.addf %parallel_loop3A_479, %parallel_loop3A_483 : vector<16xf32>
      %parallel_loop3A_485 = arith.constant 0 : i32
      %parallel_loop3A_486 = arith.index_cast %parallel_loop3A_485 : i32 to index
      %parallel_loop3A_487 = arith.index_cast %parallel_loop3A_472 : i32 to index
      %parallel_loop3A_488 = tpu.vector_load %arg9[%parallel_loop3A_486, %parallel_loop3A_487] {strides = array<i32>} : memref<4x4096xf32, #tpu.memory_space<vmem>>, vector<16xf32>,
      tpu.vector_store %arg9[%parallel_loop3A_486, %parallel_loop3A_487], %parallel_loop3A_484 {strides = array<i32>} : memref<4x4096xf32, #tpu.memory_space<vmem>>, vector<16xf32>,
    } {sc.loop_unroll_factor = 8 : i64, sc.parallel_access}
    %dma_start3A_63 = arith.constant 0 : i32
    %dma_start3A_64 = arith.constant 0 : i32
    %dma_start3A_65 = tpu.memref_slice %arg9[%dma_start3A_63, %dma_start3A_64] : memref<4x4096xf32, #tpu.memory_space<vmem>> -> memref<1x4096xf32, #tpu.memory_space<vmem>>
    %dma_start3A_66 = tpu.memref_squeeze %dma_start3A_65 : memref<1x4096xf32, #tpu.memory_space<vmem>> -> memref<4096xf32, #tpu.memory_space<vmem>>
    %dma_start3A_67 = arith.constant 0 : i32
    %dma_start3A_68 = tpu.memref_slice %arg5[%add3A_14, %dma_start3A_67] : memref<64x16384xf32, #tpu.memory_space<hbm>> -> memref<1x4096xf32, #tpu.memory_space<hbm>>
    %dma_start3A_69 = tpu.memref_squeeze %dma_start3A_68 : memref<1x4096xf32, #tpu.memory_space<hbm>> -> memref<4096xf32, #tpu.memory_space<hbm>>
    %dma_start3A_70 = arith.constant 0 : i32
    %dma_start3A_71 = tpu.memref_slice %arg5[%add3A_14, %dma_start3A_70] : memref<64x16384xf32, #tpu.memory_space<hbm>> -> memref<1x4096xf32, #tpu.memory_space<hbm>>
    %dma_start3A_72 = tpu.memref_squeeze %dma_start3A_71 : memref<1x4096xf32, #tpu.memory_space<hbm>> -> memref<4096xf32, #tpu.memory_space<hbm>>
    %dma_start3A_73 = arith.constant 0 : i32
    %dma_start3A_74 = tpu.memref_slice %arg9[%dma_start3A_63, %dma_start3A_73] : memref<4x4096xf32, #tpu.memory_space<vmem>> -> memref<1x4096xf32, #tpu.memory_space<vmem>>
    %dma_start3A_75 = tpu.memref_squeeze %dma_start3A_74 : memref<1x4096xf32, #tpu.memory_space<vmem>> -> memref<4096xf32, #tpu.memory_space<vmem>>
    tpu.enqueue_dma source(%dma_start3A_75 : memref<4096xf32, #tpu.memory_space<vmem>>) target(%dma_start3A_72 : memref<4096xf32, #tpu.memory_space<hbm>>) target_semaphore(%arg11 : memref<!tpu.dma_semaphore, #tpu.memory_space<semaphore_mem>>)
    %dma_wait3A_76 = arith.constant 1 : i32
    %dma_wait3A_77 = arith.constant 0 : i32
    %dma_wait3A_78 = tpu.memref_slice %arg8[%dma_wait3A_76, %dma_wait3A_77] : memref<2x4096xi32, #tpu.memory_space<vmem>> -> memref<1x4096xi32, #tpu.memory_space<vmem>>
    %dma_wait3A_79 = tpu.memref_squeeze %dma_wait3A_78 : memref<1x4096xi32, #tpu.memory_space<vmem>> -> memref<4096xi32, #tpu.memory_space<vmem>>
    %dma_wait3A_80 = arith.constant 4096 : i32
    %dma_wait3A_81 = tpu.memref_slice %arg4[%dma_wait3A_80] : memref<16384xi32, #tpu.memory_space<hbm>> -> memref<4096xi32, #tpu.memory_space<hbm>>
    %dma_wait3A_82 = arith.constant 0 : i32
    %dma_wait3A_83 = tpu.memref_slice %arg8[%dma_wait3A_76, %dma_wait3A_82] : memref<2x4096xi32, #tpu.memory_space<vmem>> -> memref<1x4096xi32, #tpu.memory_space<vmem>>
    %dma_wait3A_84 = tpu.memref_squeeze %dma_wait3A_83 : memref<1x4096xi32, #tpu.memory_space<vmem>> -> memref<4096xi32, #tpu.memory_space<vmem>>
    %dma_wait3A_85 = arith.constant 4096 : i32
    %dma_wait3A_86 = tpu.memref_slice %arg4[%dma_wait3A_85] : memref<16384xi32, #tpu.memory_space<hbm>> -> memref<4096xi32, #tpu.memory_space<hbm>>
    tpu.wait_dma2 semaphore(%arg10 : memref<!tpu.dma_semaphore, #tpu.memory_space<semaphore_mem>>) src(%dma_wait3A_86 : memref<4096xi32, #tpu.memory_space<hbm>>) dst(%dma_wait3A_84 : memref<4096xi32, #tpu.memory_space<vmem>>)
    %dma_start3A_87 = arith.constant 0 : i32
    %dma_start3A_88 = arith.constant 0 : i32
    %dma_start3A_89 = tpu.memref_slice %arg8[%dma_start3A_87, %dma_start3A_88] : memref<2x4096xi32, #tpu.memory_space<vmem>> -> memref<1x4096xi32, #tpu.memory_space<vmem>>
    %dma_start3A_90 = tpu.memref_squeeze %dma_start3A_89 : memref<1x4096xi32, #tpu.memory_space<vmem>> -> memref<4096xi32, #tpu.memory_space<vmem>>
    %dma_start3A_91 = arith.constant 8192 : i32
    %dma_start3A_92 = tpu.memref_slice %arg4[%dma_start3A_91] : memref<16384xi32, #tpu.memory_space<hbm>> -> memref<4096xi32, #tpu.memory_space<hbm>>
    %dma_start3A_93 = arith.constant 0 : i32
    %dma_start3A_94 = tpu.memref_slice %arg8[%dma_start3A_87, %dma_start3A_93] : memref<2x4096xi32, #tpu.memory_space<vmem>> -> memref<1x4096xi32, #tpu.memory_space<vmem>>
    %dma_start3A_95 = tpu.memref_squeeze %dma_start3A_94 : memref<1x4096xi32, #tpu.memory_space<vmem>> -> memref<4096xi32, #tpu.memory_space<vmem>>
    %dma_start3A_96 = arith.constant 8192 : i32
    %dma_start3A_97 = tpu.memref_slice %arg4[%dma_start3A_96] : memref<16384xi32, #tpu.memory_space<hbm>> -> memref<4096xi32, #tpu.memory_space<hbm>>
    tpu.enqueue_dma source(%dma_start3A_97 : memref<4096xi32, #tpu.memory_space<hbm>>) target(%dma_start3A_95 : memref<4096xi32, #tpu.memory_space<vmem>>) target_semaphore(%arg10 : memref<!tpu.dma_semaphore, #tpu.memory_space<semaphore_mem>>)
    %parallel_loop3A_98 = arith.constant 0 : i32
    %parallel_loop3A_99 = arith.constant 256 : i32
    %parallel_loop3A_100 = arith.constant 1 : i32
    %parallel_loop3A_101 = arith.constant 131071 : i32
    scf.for %parallel_loop3A_470 = %parallel_loop3A_98 to %parallel_loop3A_99 step %parallel_loop3A_100  : i32 {
      %parallel_loop3A_471 = arith.constant 16 : i32
      %parallel_loop3A_472 = arith.muli %parallel_loop3A_470, %parallel_loop3A_471 : i32
      %parallel_loop3A_473 = arith.constant 1 : i32
      %parallel_loop3A_474 = arith.index_cast %parallel_loop3A_473 : i32 to index
      %parallel_loop3A_475 = arith.index_cast %parallel_loop3A_472 : i32 to index
      %parallel_loop3A_476 = tpu.vector_load %arg8[%parallel_loop3A_474, %parallel_loop3A_475] {strides = array<i32>} : memref<2x4096xi32, #tpu.memory_space<vmem>>, vector<16xi32>,
      %parallel_loop3A_477 = vector.broadcast %parallel_loop3A_101 : i32 to vector<16xi32>
      %parallel_loop3A_478 = arith.andi %parallel_loop3A_476, %parallel_loop3A_477 : vector<16xi32>
      %parallel_loop3A_479 = tpu.vector_load_idx %arg6[%parallel_loop3A_478] : memref<100000xf32, #tpu.memory_space<vmem>>[vector<16xi32>], vector<16xf32>,
      %parallel_loop3A_480 = arith.constant 17 : i32
      %parallel_loop3A_481 = vector.broadcast %parallel_loop3A_480 : i32 to vector<16xi32>
      %parallel_loop3A_482 = arith.shrui %parallel_loop3A_476, %parallel_loop3A_481 : vector<16xi32>
      %parallel_loop3A_483 = tpu.vector_load_idx %arg7[%parallel_loop3A_482] : memref<1000xf32, #tpu.memory_space<vmem>>[vector<16xi32>], vector<16xf32>,
      %parallel_loop3A_484 = arith.addf %parallel_loop3A_479, %parallel_loop3A_483 : vector<16xf32>
      %parallel_loop3A_485 = arith.constant 1 : i32
      %parallel_loop3A_486 = arith.index_cast %parallel_loop3A_485 : i32 to index
      %parallel_loop3A_487 = arith.index_cast %parallel_loop3A_472 : i32 to index
      %parallel_loop3A_488 = tpu.vector_load %arg9[%parallel_loop3A_486, %parallel_loop3A_487] {strides = array<i32>} : memref<4x4096xf32, #tpu.memory_space<vmem>>, vector<16xf32>,
      tpu.vector_store %arg9[%parallel_loop3A_486, %parallel_loop3A_487], %parallel_loop3A_484 {strides = array<i32>} : memref<4x4096xf32, #tpu.memory_space<vmem>>, vector<16xf32>,
    } {sc.loop_unroll_factor = 8 : i64, sc.parallel_access}
    %dma_start3A_102 = arith.constant 1 : i32
    %dma_start3A_103 = arith.constant 0 : i32
    %dma_start3A_104 = tpu.memref_slice %arg9[%dma_start3A_102, %dma_start3A_103] : memref<4x4096xf32, #tpu.memory_space<vmem>> -> memref<1x4096xf32, #tpu.memory_space<vmem>>
    %dma_start3A_105 = tpu.memref_squeeze %dma_start3A_104 : memref<1x4096xf32, #tpu.memory_space<vmem>> -> memref<4096xf32, #tpu.memory_space<vmem>>
    %dma_start3A_106 = arith.constant 4096 : i32
    %dma_start3A_107 = tpu.memref_slice %arg5[%add3A_14, %dma_start3A_106] : memref<64x16384xf32, #tpu.memory_space<hbm>> -> memref<1x4096xf32, #tpu.memory_space<hbm>>
    %dma_start3A_108 = tpu.memref_squeeze %dma_start3A_107 : memref<1x4096xf32, #tpu.memory_space<hbm>> -> memref<4096xf32, #tpu.memory_space<hbm>>
    %dma_start3A_109 = arith.constant 4096 : i32
    %dma_start3A_110 = tpu.memref_slice %arg5[%add3A_14, %dma_start3A_109] : memref<64x16384xf32, #tpu.memory_space<hbm>> -> memref<1x4096xf32, #tpu.memory_space<hbm>>
    %dma_start3A_111 = tpu.memref_squeeze %dma_start3A_110 : memref<1x4096xf32, #tpu.memory_space<hbm>> -> memref<4096xf32, #tpu.memory_space<hbm>>
    %dma_start3A_112 = arith.constant 0 : i32
    %dma_start3A_113 = tpu.memref_slice %arg9[%dma_start3A_102, %dma_start3A_112] : memref<4x4096xf32, #tpu.memory_space<vmem>> -> memref<1x4096xf32, #tpu.memory_space<vmem>>
    %dma_start3A_114 = tpu.memref_squeeze %dma_start3A_113 : memref<1x4096xf32, #tpu.memory_space<vmem>> -> memref<4096xf32, #tpu.memory_space<vmem>>
    tpu.enqueue_dma source(%dma_start3A_114 : memref<4096xf32, #tpu.memory_space<vmem>>) target(%dma_start3A_111 : memref<4096xf32, #tpu.memory_space<hbm>>) target_semaphore(%arg11 : memref<!tpu.dma_semaphore, #tpu.memory_space<semaphore_mem>>)
    %dma_wait3A_115 = arith.constant 0 : i32
    %dma_wait3A_116 = arith.constant 0 : i32
    %dma_wait3A_117 = tpu.memref_slice %arg8[%dma_wait3A_115, %dma_wait3A_116] : memref<2x4096xi32, #tpu.memory_space<vmem>> -> memref<1x4096xi32, #tpu.memory_space<vmem>>
    %dma_wait3A_118 = tpu.memref_squeeze %dma_wait3A_117 : memref<1x4096xi32, #tpu.memory_space<vmem>> -> memref<4096xi32, #tpu.memory_space<vmem>>
    %dma_wait3A_119 = arith.constant 8192 : i32
    %dma_wait3A_120 = tpu.memref_slice %arg4[%dma_wait3A_119] : memref<16384xi32, #tpu.memory_space<hbm>> -> memref<4096xi32, #tpu.memory_space<hbm>>
    %dma_wait3A_121 = arith.constant 0 : i32
    %dma_wait3A_122 = tpu.memref_slice %arg8[%dma_wait3A_115, %dma_wait3A_121] : memref<2x4096xi32, #tpu.memory_space<vmem>> -> memref<1x4096xi32, #tpu.memory_space<vmem>>
    %dma_wait3A_123 = tpu.memref_squeeze %dma_wait3A_122 : memref<1x4096xi32, #tpu.memory_space<vmem>> -> memref<4096xi32, #tpu.memory_space<vmem>>
    %dma_wait3A_124 = arith.constant 8192 : i32
    %dma_wait3A_125 = tpu.memref_slice %arg4[%dma_wait3A_124] : memref<16384xi32, #tpu.memory_space<hbm>> -> memref<4096xi32, #tpu.memory_space<hbm>>
    tpu.wait_dma2 semaphore(%arg10 : memref<!tpu.dma_semaphore, #tpu.memory_space<semaphore_mem>>) src(%dma_wait3A_125 : memref<4096xi32, #tpu.memory_space<hbm>>) dst(%dma_wait3A_123 : memref<4096xi32, #tpu.memory_space<vmem>>)
    %dma_start3A_126 = arith.constant 1 : i32
    %dma_start3A_127 = arith.constant 0 : i32
    %dma_start3A_128 = tpu.memref_slice %arg8[%dma_start3A_126, %dma_start3A_127] : memref<2x4096xi32, #tpu.memory_space<vmem>> -> memref<1x4096xi32, #tpu.memory_space<vmem>>
    %dma_start3A_129 = tpu.memref_squeeze %dma_start3A_128 : memref<1x4096xi32, #tpu.memory_space<vmem>> -> memref<4096xi32, #tpu.memory_space<vmem>>
    %dma_start3A_130 = arith.constant 12288 : i32
    %dma_start3A_131 = tpu.memref_slice %arg4[%dma_start3A_130] : memref<16384xi32, #tpu.memory_space<hbm>> -> memref<4096xi32, #tpu.memory_space<hbm>>
    %dma_start3A_132 = arith.constant 0 : i32
    %dma_start3A_133 = tpu.memref_slice %arg8[%dma_start3A_126, %dma_start3A_132] : memref<2x4096xi32, #tpu.memory_space<vmem>> -> memref<1x4096xi32, #tpu.memory_space<vmem>>
    %dma_start3A_134 = tpu.memref_squeeze %dma_start3A_133 : memref<1x4096xi32, #tpu.memory_space<vmem>> -> memref<4096xi32, #tpu.memory_space<vmem>>
    %dma_start3A_135 = arith.constant 12288 : i32
    %dma_start3A_136 = tpu.memref_slice %arg4[%dma_start3A_135] : memref<16384xi32, #tpu.memory_space<hbm>> -> memref<4096xi32, #tpu.memory_space<hbm>>
    tpu.enqueue_dma source(%dma_start3A_136 : memref<4096xi32, #tpu.memory_space<hbm>>) target(%dma_start3A_134 : memref<4096xi32, #tpu.memory_space<vmem>>) target_semaphore(%arg10 : memref<!tpu.dma_semaphore, #tpu.memory_space<semaphore_mem>>)
    %parallel_loop3A_137 = arith.constant 0 : i32
    %parallel_loop3A_138 = arith.constant 256 : i32
    %parallel_loop3A_139 = arith.constant 1 : i32
    %parallel_loop3A_140 = arith.constant 131071 : i32
    scf.for %parallel_loop3A_470 = %parallel_loop3A_137 to %parallel_loop3A_138 step %parallel_loop3A_139  : i32 {
      %parallel_loop3A_471 = arith.constant 16 : i32
      %parallel_loop3A_472 = arith.muli %parallel_loop3A_470, %parallel_loop3A_471 : i32
      %parallel_loop3A_473 = arith.constant 0 : i32
      %parallel_loop3A_474 = arith.index_cast %parallel_loop3A_473 : i32 to index
      %parallel_loop3A_475 = arith.index_cast %parallel_loop3A_472 : i32 to index
      %parallel_loop3A_476 = tpu.vector_load %arg8[%parallel_loop3A_474, %parallel_loop3A_475] {strides = array<i32>} : memref<2x4096xi32, #tpu.memory_space<vmem>>, vector<16xi32>,
      %parallel_loop3A_477 = vector.broadcast %parallel_loop3A_140 : i32 to vector<16xi32>
      %parallel_loop3A_478 = arith.andi %parallel_loop3A_476, %parallel_loop3A_477 : vector<16xi32>
      %parallel_loop3A_479 = tpu.vector_load_idx %arg6[%parallel_loop3A_478] : memref<100000xf32, #tpu.memory_space<vmem>>[vector<16xi32>], vector<16xf32>,
      %parallel_loop3A_480 = arith.constant 17 : i32
      %parallel_loop3A_481 = vector.broadcast %parallel_loop3A_480 : i32 to vector<16xi32>
      %parallel_loop3A_482 = arith.shrui %parallel_loop3A_476, %parallel_loop3A_481 : vector<16xi32>
      %parallel_loop3A_483 = tpu.vector_load_idx %arg7[%parallel_loop3A_482] : memref<1000xf32, #tpu.memory_space<vmem>>[vector<16xi32>], vector<16xf32>,
      %parallel_loop3A_484 = arith.addf %parallel_loop3A_479, %parallel_loop3A_483 : vector<16xf32>
      %parallel_loop3A_485 = arith.constant 2 : i32
      %parallel_loop3A_486 = arith.index_cast %parallel_loop3A_485 : i32 to index
      %parallel_loop3A_487 = arith.index_cast %parallel_loop3A_472 : i32 to index
      %parallel_loop3A_488 = tpu.vector_load %arg9[%parallel_loop3A_486, %parallel_loop3A_487] {strides = array<i32>} : memref<4x4096xf32, #tpu.memory_space<vmem>>, vector<16xf32>,
      tpu.vector_store %arg9[%parallel_loop3A_486, %parallel_loop3A_487], %parallel_loop3A_484 {strides = array<i32>} : memref<4x4096xf32, #tpu.memory_space<vmem>>, vector<16xf32>,
    } {sc.loop_unroll_factor = 8 : i64, sc.parallel_access}
    %dma_start3A_141 = arith.constant 2 : i32
    %dma_start3A_142 = arith.constant 0 : i32
    %dma_start3A_143 = tpu.memref_slice %arg9[%dma_start3A_141, %dma_start3A_142] : memref<4x4096xf32, #tpu.memory_space<vmem>> -> memref<1x4096xf32, #tpu.memory_space<vmem>>
    %dma_start3A_144 = tpu.memref_squeeze %dma_start3A_143 : memref<1x4096xf32, #tpu.memory_space<vmem>> -> memref<4096xf32, #tpu.memory_space<vmem>>
    %dma_start3A_145 = arith.constant 8192 : i32
    %dma_start3A_146 = tpu.memref_slice %arg5[%add3A_14, %dma_start3A_145] : memref<64x16384xf32, #tpu.memory_space<hbm>> -> memref<1x4096xf32, #tpu.memory_space<hbm>>
    %dma_start3A_147 = tpu.memref_squeeze %dma_start3A_146 : memref<1x4096xf32, #tpu.memory_space<hbm>> -> memref<4096xf32, #tpu.memory_space<hbm>>
    %dma_start3A_148 = arith.constant 8192 : i32
    %dma_start3A_149 = tpu.memref_slice %arg5[%add3A_14, %dma_start3A_148] : memref<64x16384xf32, #tpu.memory_space<hbm>> -> memref<1x4096xf32, #tpu.memory_space<hbm>>
    %dma_start3A_150 = tpu.memref_squeeze %dma_start3A_149 : memref<1x4096xf32, #tpu.memory_space<hbm>> -> memref<4096xf32, #tpu.memory_space<hbm>>
    %dma_start3A_151 = arith.constant 0 : i32
    %dma_start3A_152 = tpu.memref_slice %arg9[%dma_start3A_141, %dma_start3A_151] : memref<4x4096xf32, #tpu.memory_space<vmem>> -> memref<1x4096xf32, #tpu.memory_space<vmem>>
    %dma_start3A_153 = tpu.memref_squeeze %dma_start3A_152 : memref<1x4096xf32, #tpu.memory_space<vmem>> -> memref<4096xf32, #tpu.memory_space<vmem>>
    tpu.enqueue_dma source(%dma_start3A_153 : memref<4096xf32, #tpu.memory_space<vmem>>) target(%dma_start3A_150 : memref<4096xf32, #tpu.memory_space<hbm>>) target_semaphore(%arg11 : memref<!tpu.dma_semaphore, #tpu.memory_space<semaphore_mem>>)
    %dma_wait3A_154 = arith.constant 1 : i32
    %dma_wait3A_155 = arith.constant 0 : i32
    %dma_wait3A_156 = tpu.memref_slice %arg8[%dma_wait3A_154, %dma_wait3A_155] : memref<2x4096xi32, #tpu.memory_space<vmem>> -> memref<1x4096xi32, #tpu.memory_space<vmem>>
    %dma_wait3A_157 = tpu.memref_squeeze %dma_wait3A_156 : memref<1x4096xi32, #tpu.memory_space<vmem>> -> memref<4096xi32, #tpu.memory_space<vmem>>
    %dma_wait3A_158 = arith.constant 12288 : i32
    %dma_wait3A_159 = tpu.memref_slice %arg4[%dma_wait3A_158] : memref<16384xi32, #tpu.memory_space<hbm>> -> memref<4096xi32, #tpu.memory_space<hbm>>
    %dma_wait3A_160 = arith.constant 0 : i32
    %dma_wait3A_161 = tpu.memref_slice %arg8[%dma_wait3A_154, %dma_wait3A_160] : memref<2x4096xi32, #tpu.memory_space<vmem>> -> memref<1x4096xi32, #tpu.memory_space<vmem>>
    %dma_wait3A_162 = tpu.memref_squeeze %dma_wait3A_161 : memref<1x4096xi32, #tpu.memory_space<vmem>> -> memref<4096xi32, #tpu.memory_space<vmem>>
    %dma_wait3A_163 = arith.constant 12288 : i32
    %dma_wait3A_164 = tpu.memref_slice %arg4[%dma_wait3A_163] : memref<16384xi32, #tpu.memory_space<hbm>> -> memref<4096xi32, #tpu.memory_space<hbm>>
    tpu.wait_dma2 semaphore(%arg10 : memref<!tpu.dma_semaphore, #tpu.memory_space<semaphore_mem>>) src(%dma_wait3A_164 : memref<4096xi32, #tpu.memory_space<hbm>>) dst(%dma_wait3A_162 : memref<4096xi32, #tpu.memory_space<vmem>>)
    %dma_start3A_165 = arith.constant 0 : i32
    %dma_start3A_166 = arith.constant 0 : i32
    %dma_start3A_167 = tpu.memref_slice %arg8[%dma_start3A_165, %dma_start3A_166] : memref<2x4096xi32, #tpu.memory_space<vmem>> -> memref<1x4096xi32, #tpu.memory_space<vmem>>
    %dma_start3A_168 = tpu.memref_squeeze %dma_start3A_167 : memref<1x4096xi32, #tpu.memory_space<vmem>> -> memref<4096xi32, #tpu.memory_space<vmem>>
    %dma_start3A_169 = arith.constant 0 : i32
    %dma_start3A_170 = tpu.memref_slice %arg4[%dma_start3A_169] : memref<16384xi32, #tpu.memory_space<hbm>> -> memref<4096xi32, #tpu.memory_space<hbm>>
    %dma_start3A_171 = arith.constant 0 : i32
    %dma_start3A_172 = tpu.memref_slice %arg8[%dma_start3A_165, %dma_start3A_171] : memref<2x4096xi32, #tpu.memory_space<vmem>> -> memref<1x4096xi32, #tpu.memory_space<vmem>>
    %dma_start3A_173 = tpu.memref_squeeze %dma_start3A_172 : memref<1x4096xi32, #tpu.memory_space<vmem>> -> memref<4096xi32, #tpu.memory_space<vmem>>
    %dma_start3A_174 = arith.constant 0 : i32
    %dma_start3A_175 = tpu.memref_slice %arg4[%dma_start3A_174] : memref<16384xi32, #tpu.memory_space<hbm>> -> memref<4096xi32, #tpu.memory_space<hbm>>
    tpu.enqueue_dma source(%dma_start3A_175 : memref<4096xi32, #tpu.memory_space<hbm>>) target(%dma_start3A_173 : memref<4096xi32, #tpu.memory_space<vmem>>) target_semaphore(%arg10 : memref<!tpu.dma_semaphore, #tpu.memory_space<semaphore_mem>>)
    %parallel_loop3A_176 = arith.constant 0 : i32
    %parallel_loop3A_177 = arith.constant 256 : i32
    %parallel_loop3A_178 = arith.constant 1 : i32
    %parallel_loop3A_179 = arith.constant 131071 : i32
    scf.for %parallel_loop3A_470 = %parallel_loop3A_176 to %parallel_loop3A_177 step %parallel_loop3A_178  : i32 {
      %parallel_loop3A_471 = arith.constant 16 : i32
      %parallel_loop3A_472 = arith.muli %parallel_loop3A_470, %parallel_loop3A_471 : i32
      %parallel_loop3A_473 = arith.constant 1 : i32
      %parallel_loop3A_474 = arith.index_cast %parallel_loop3A_473 : i32 to index
      %parallel_loop3A_475 = arith.index_cast %parallel_loop3A_472 : i32 to index
      %parallel_loop3A_476 = tpu.vector_load %arg8[%parallel_loop3A_474, %parallel_loop3A_475] {strides = array<i32>} : memref<2x4096xi32, #tpu.memory_space<vmem>>, vector<16xi32>,
      %parallel_loop3A_477 = vector.broadcast %parallel_loop3A_179 : i32 to vector<16xi32>
      %parallel_loop3A_478 = arith.andi %parallel_loop3A_476, %parallel_loop3A_477 : vector<16xi32>
      %parallel_loop3A_479 = tpu.vector_load_idx %arg6[%parallel_loop3A_478] : memref<100000xf32, #tpu.memory_space<vmem>>[vector<16xi32>], vector<16xf32>,
      %parallel_loop3A_480 = arith.constant 17 : i32
      %parallel_loop3A_481 = vector.broadcast %parallel_loop3A_480 : i32 to vector<16xi32>
      %parallel_loop3A_482 = arith.shrui %parallel_loop3A_476, %parallel_loop3A_481 : vector<16xi32>
      %parallel_loop3A_483 = tpu.vector_load_idx %arg7[%parallel_loop3A_482] : memref<1000xf32, #tpu.memory_space<vmem>>[vector<16xi32>], vector<16xf32>,
      %parallel_loop3A_484 = arith.addf %parallel_loop3A_479, %parallel_loop3A_483 : vector<16xf32>
      %parallel_loop3A_485 = arith.constant 3 : i32
      %parallel_loop3A_486 = arith.index_cast %parallel_loop3A_485 : i32 to index
      %parallel_loop3A_487 = arith.index_cast %parallel_loop3A_472 : i32 to index
      %parallel_loop3A_488 = tpu.vector_load %arg9[%parallel_loop3A_486, %parallel_loop3A_487] {strides = array<i32>} : memref<4x4096xf32, #tpu.memory_space<vmem>>, vector<16xf32>,
      tpu.vector_store %arg9[%parallel_loop3A_486, %parallel_loop3A_487], %parallel_loop3A_484 {strides = array<i32>} : memref<4x4096xf32, #tpu.memory_space<vmem>>, vector<16xf32>,
    } {sc.loop_unroll_factor = 8 : i64, sc.parallel_access}
    %dma_start3A_180 = arith.constant 3 : i32
    %dma_start3A_181 = arith.constant 0 : i32
    %dma_start3A_182 = tpu.memref_slice %arg9[%dma_start3A_180, %dma_start3A_181] : memref<4x4096xf32, #tpu.memory_space<vmem>> -> memref<1x4096xf32, #tpu.memory_space<vmem>>
    %dma_start3A_183 = tpu.memref_squeeze %dma_start3A_182 : memref<1x4096xf32, #tpu.memory_space<vmem>> -> memref<4096xf32, #tpu.memory_space<vmem>>
    %dma_start3A_184 = arith.constant 12288 : i32
    %dma_start3A_185 = tpu.memref_slice %arg5[%add3A_14, %dma_start3A_184] : memref<64x16384xf32, #tpu.memory_space<hbm>> -> memref<1x4096xf32, #tpu.memory_space<hbm>>
    %dma_start3A_186 = tpu.memref_squeeze %dma_start3A_185 : memref<1x4096xf32, #tpu.memory_space<hbm>> -> memref<4096xf32, #tpu.memory_space<hbm>>
    %dma_start3A_187 = arith.constant 12288 : i32
    %dma_start3A_188 = tpu.memref_slice %arg5[%add3A_14, %dma_start3A_187] : memref<64x16384xf32, #tpu.memory_space<hbm>> -> memref<1x4096xf32, #tpu.memory_space<hbm>>
    %dma_start3A_189 = tpu.memref_squeeze %dma_start3A_188 : memref<1x4096xf32, #tpu.memory_space<hbm>> -> memref<4096xf32, #tpu.memory_space<hbm>>
    %dma_start3A_190 = arith.constant 0 : i32
    %dma_start3A_191 = tpu.memref_slice %arg9[%dma_start3A_180, %dma_start3A_190] : memref<4x4096xf32, #tpu.memory_space<vmem>> -> memref<1x4096xf32, #tpu.memory_space<vmem>>
    %dma_start3A_192 = tpu.memref_squeeze %dma_start3A_191 : memref<1x4096xf32, #tpu.memory_space<vmem>> -> memref<4096xf32, #tpu.memory_space<vmem>>
    tpu.enqueue_dma source(%dma_start3A_192 : memref<4096xf32, #tpu.memory_space<vmem>>) target(%dma_start3A_189 : memref<4096xf32, #tpu.memory_space<hbm>>) target_semaphore(%arg11 : memref<!tpu.dma_semaphore, #tpu.memory_space<semaphore_mem>>)
    %mul3A_193 = arith.constant 2 : i32
    %mul3A_194 = arith.muli %add3A, %mul3A_193 : i32
    %add3A_195 = arith.constant 1 : i32
    %add3A_196 = arith.addi %mul3A_194, %add3A_195 : i32
    %dma_start3A_197 = arith.constant 0 : i32
    %dma_start3A_198 = tpu.memref_slice %arg2[%add3A_196, %dma_start3A_197] : memref<64x100000xf32, #tpu.memory_space<hbm>> -> memref<1x100000xf32, #tpu.memory_space<hbm>>
    %dma_start3A_199 = tpu.memref_squeeze %dma_start3A_198 : memref<1x100000xf32, #tpu.memory_space<hbm>> -> memref<100000xf32, #tpu.memory_space<hbm>>
    %dma_start3A_200 = arith.constant 0 : i32
    %dma_start3A_201 = tpu.memref_slice %arg2[%add3A_196, %dma_start3A_200] : memref<64x100000xf32, #tpu.memory_space<hbm>> -> memref<1x100000xf32, #tpu.memory_space<hbm>>
    %dma_start3A_202 = tpu.memref_squeeze %dma_start3A_201 : memref<1x100000xf32, #tpu.memory_space<hbm>> -> memref<100000xf32, #tpu.memory_space<hbm>>
    tpu.enqueue_dma source(%dma_start3A_202 : memref<100000xf32, #tpu.memory_space<hbm>>) target(%arg6 : memref<100000xf32, #tpu.memory_space<vmem>>) target_semaphore(%arg10 : memref<!tpu.dma_semaphore, #tpu.memory_space<semaphore_mem>>)
    %dma_start3A_203 = arith.constant 0 : i32
    %dma_start3A_204 = tpu.memref_slice %arg3[%add3A_196, %dma_start3A_203] : memref<64x1000xf32, #tpu.memory_space<hbm>> -> memref<1x1000xf32, #tpu.memory_space<hbm>>
    %dma_start3A_205 = tpu.memref_squeeze %dma_start3A_204 : memref<1x1000xf32, #tpu.memory_space<hbm>> -> memref<1000xf32, #tpu.memory_space<hbm>>
    %dma_start3A_206 = arith.constant 0 : i32
    %dma_start3A_207 = tpu.memref_slice %arg3[%add3A_196, %dma_start3A_206] : memref<64x1000xf32, #tpu.memory_space<hbm>> -> memref<1x1000xf32, #tpu.memory_space<hbm>>
    %dma_start3A_208 = tpu.memref_squeeze %dma_start3A_207 : memref<1x1000xf32, #tpu.memory_space<hbm>> -> memref<1000xf32, #tpu.memory_space<hbm>>
    tpu.enqueue_dma source(%dma_start3A_208 : memref<1000xf32, #tpu.memory_space<hbm>>) target(%arg7 : memref<1000xf32, #tpu.memory_space<vmem>>) target_semaphore(%arg10 : memref<!tpu.dma_semaphore, #tpu.memory_space<semaphore_mem>>)
    %dma_wait3A_209 = arith.constant 0 : i32
    %dma_wait3A_210 = tpu.memref_slice %arg2[%add3A_196, %dma_wait3A_209] : memref<64x100000xf32, #tpu.memory_space<hbm>> -> memref<1x100000xf32, #tpu.memory_space<hbm>>
    %dma_wait3A_211 = tpu.memref_squeeze %dma_wait3A_210 : memref<1x100000xf32, #tpu.memory_space<hbm>> -> memref<100000xf32, #tpu.memory_space<hbm>>
    %dma_wait3A_212 = arith.constant 0 : i32
    %dma_wait3A_213 = tpu.memref_slice %arg2[%add3A_196, %dma_wait3A_212] : memref<64x100000xf32, #tpu.memory_space<hbm>> -> memref<1x100000xf32, #tpu.memory_space<hbm>>
    %dma_wait3A_214 = tpu.memref_squeeze %dma_wait3A_213 : memref<1x100000xf32, #tpu.memory_space<hbm>> -> memref<100000xf32, #tpu.memory_space<hbm>>
    tpu.wait_dma2 semaphore(%arg10 : memref<!tpu.dma_semaphore, #tpu.memory_space<semaphore_mem>>) src(%dma_wait3A_214 : memref<100000xf32, #tpu.memory_space<hbm>>) dst(%arg6 : memref<100000xf32, #tpu.memory_space<vmem>>)
    %dma_wait3A_215 = arith.constant 0 : i32
    %dma_wait3A_216 = tpu.memref_slice %arg3[%add3A_196, %dma_wait3A_215] : memref<64x1000xf32, #tpu.memory_space<hbm>> -> memref<1x1000xf32, #tpu.memory_space<hbm>>
    %dma_wait3A_217 = tpu.memref_squeeze %dma_wait3A_216 : memref<1x1000xf32, #tpu.memory_space<hbm>> -> memref<1000xf32, #tpu.memory_space<hbm>>
    %dma_wait3A_218 = arith.constant 0 : i32
    %dma_wait3A_219 = tpu.memref_slice %arg3[%add3A_196, %dma_wait3A_218] : memref<64x1000xf32, #tpu.memory_space<hbm>> -> memref<1x1000xf32, #tpu.memory_space<hbm>>
    %dma_wait3A_220 = tpu.memref_squeeze %dma_wait3A_219 : memref<1x1000xf32, #tpu.memory_space<hbm>> -> memref<1000xf32, #tpu.memory_space<hbm>>
    tpu.wait_dma2 semaphore(%arg10 : memref<!tpu.dma_semaphore, #tpu.memory_space<semaphore_mem>>) src(%dma_wait3A_220 : memref<1000xf32, #tpu.memory_space<hbm>>) dst(%arg7 : memref<1000xf32, #tpu.memory_space<vmem>>)
    %dma_wait3A_221 = arith.constant 0 : i32
    %dma_wait3A_222 = arith.constant 0 : i32
    %dma_wait3A_223 = tpu.memref_slice %arg8[%dma_wait3A_221, %dma_wait3A_222] : memref<2x4096xi32, #tpu.memory_space<vmem>> -> memref<1x4096xi32, #tpu.memory_space<vmem>>
    %dma_wait3A_224 = tpu.memref_squeeze %dma_wait3A_223 : memref<1x4096xi32, #tpu.memory_space<vmem>> -> memref<4096xi32, #tpu.memory_space<vmem>>
    %dma_wait3A_225 = arith.constant 0 : i32
    %dma_wait3A_226 = tpu.memref_slice %arg4[%dma_wait3A_225] : memref<16384xi32, #tpu.memory_space<hbm>> -> memref<4096xi32, #tpu.memory_space<hbm>>
    %dma_wait3A_227 = arith.constant 0 : i32
    %dma_wait3A_228 = tpu.memref_slice %arg8[%dma_wait3A_221, %dma_wait3A_227] : memref<2x4096xi32, #tpu.memory_space<vmem>> -> memref<1x4096xi32, #tpu.memory_space<vmem>>
    %dma_wait3A_229 = tpu.memref_squeeze %dma_wait3A_228 : memref<1x4096xi32, #tpu.memory_space<vmem>> -> memref<4096xi32, #tpu.memory_space<vmem>>
    %dma_wait3A_230 = arith.constant 0 : i32
    %dma_wait3A_231 = tpu.memref_slice %arg4[%dma_wait3A_230] : memref<16384xi32, #tpu.memory_space<hbm>> -> memref<4096xi32, #tpu.memory_space<hbm>>
    tpu.wait_dma2 semaphore(%arg10 : memref<!tpu.dma_semaphore, #tpu.memory_space<semaphore_mem>>) src(%dma_wait3A_231 : memref<4096xi32, #tpu.memory_space<hbm>>) dst(%dma_wait3A_229 : memref<4096xi32, #tpu.memory_space<vmem>>)
    %dma_start3A_232 = arith.constant 1 : i32
    %dma_start3A_233 = arith.constant 0 : i32
    %dma_start3A_234 = tpu.memref_slice %arg8[%dma_start3A_232, %dma_start3A_233] : memref<2x4096xi32, #tpu.memory_space<vmem>> -> memref<1x4096xi32, #tpu.memory_space<vmem>>
    %dma_start3A_235 = tpu.memref_squeeze %dma_start3A_234 : memref<1x4096xi32, #tpu.memory_space<vmem>> -> memref<4096xi32, #tpu.memory_space<vmem>>
    %dma_start3A_236 = arith.constant 4096 : i32
    %dma_start3A_237 = tpu.memref_slice %arg4[%dma_start3A_236] : memref<16384xi32, #tpu.memory_space<hbm>> -> memref<4096xi32, #tpu.memory_space<hbm>>
    %dma_start3A_238 = arith.constant 0 : i32
    %dma_start3A_239 = tpu.memref_slice %arg8[%dma_start3A_232, %dma_start3A_238] : memref<2x4096xi32, #tpu.memory_space<vmem>> -> memref<1x4096xi32, #tpu.memory_space<vmem>>
    %dma_start3A_240 = tpu.memref_squeeze %dma_start3A_239 : memref<1x4096xi32, #tpu.memory_space<vmem>> -> memref<4096xi32, #tpu.memory_space<vmem>>
    %dma_start3A_241 = arith.constant 4096 : i32
    %dma_start3A_242 = tpu.memref_slice %arg4[%dma_start3A_241] : memref<16384xi32, #tpu.memory_space<hbm>> -> memref<4096xi32, #tpu.memory_space<hbm>>
    tpu.enqueue_dma source(%dma_start3A_242 : memref<4096xi32, #tpu.memory_space<hbm>>) target(%dma_start3A_240 : memref<4096xi32, #tpu.memory_space<vmem>>) target_semaphore(%arg10 : memref<!tpu.dma_semaphore, #tpu.memory_space<semaphore_mem>>)
    %dma_wait3A_243 = arith.constant 0 : i32
    %dma_wait3A_244 = arith.constant 0 : i32
    %dma_wait3A_245 = tpu.memref_slice %arg9[%dma_wait3A_243, %dma_wait3A_244] : memref<4x4096xf32, #tpu.memory_space<vmem>> -> memref<1x4096xf32, #tpu.memory_space<vmem>>
    %dma_wait3A_246 = tpu.memref_squeeze %dma_wait3A_245 : memref<1x4096xf32, #tpu.memory_space<vmem>> -> memref<4096xf32, #tpu.memory_space<vmem>>
    %dma_wait3A_247 = arith.constant 0 : i32
    %dma_wait3A_248 = tpu.memref_slice %arg5[%add3A_14, %dma_wait3A_247] : memref<64x16384xf32, #tpu.memory_space<hbm>> -> memref<1x4096xf32, #tpu.memory_space<hbm>>
    %dma_wait3A_249 = tpu.memref_squeeze %dma_wait3A_248 : memref<1x4096xf32, #tpu.memory_space<hbm>> -> memref<4096xf32, #tpu.memory_space<hbm>>
    %dma_wait3A_250 = arith.constant 0 : i32
    %dma_wait3A_251 = tpu.memref_slice %arg5[%add3A_14, %dma_wait3A_250] : memref<64x16384xf32, #tpu.memory_space<hbm>> -> memref<1x4096xf32, #tpu.memory_space<hbm>>
    %dma_wait3A_252 = tpu.memref_squeeze %dma_wait3A_251 : memref<1x4096xf32, #tpu.memory_space<hbm>> -> memref<4096xf32, #tpu.memory_space<hbm>>
    %dma_wait3A_253 = arith.constant 0 : i32
    %dma_wait3A_254 = tpu.memref_slice %arg9[%dma_wait3A_243, %dma_wait3A_253] : memref<4x4096xf32, #tpu.memory_space<vmem>> -> memref<1x4096xf32, #tpu.memory_space<vmem>>
    %dma_wait3A_255 = tpu.memref_squeeze %dma_wait3A_254 : memref<1x4096xf32, #tpu.memory_space<vmem>> -> memref<4096xf32, #tpu.memory_space<vmem>>
    tpu.wait_dma2 semaphore(%arg11 : memref<!tpu.dma_semaphore, #tpu.memory_space<semaphore_mem>>) src(%dma_wait3A_255 : memref<4096xf32, #tpu.memory_space<vmem>>) dst(%dma_wait3A_252 : memref<4096xf32, #tpu.memory_space<hbm>>)
    %parallel_loop3A_256 = arith.constant 0 : i32
    %parallel_loop3A_257 = arith.constant 256 : i32
    %parallel_loop3A_258 = arith.constant 1 : i32
    %parallel_loop3A_259 = arith.constant 131071 : i32
    scf.for %parallel_loop3A_470 = %parallel_loop3A_256 to %parallel_loop3A_257 step %parallel_loop3A_258  : i32 {
      %parallel_loop3A_471 = arith.constant 16 : i32
      %parallel_loop3A_472 = arith.muli %parallel_loop3A_470, %parallel_loop3A_471 : i32
      %parallel_loop3A_473 = arith.constant 0 : i32
      %parallel_loop3A_474 = arith.index_cast %parallel_loop3A_473 : i32 to index
      %parallel_loop3A_475 = arith.index_cast %parallel_loop3A_472 : i32 to index
      %parallel_loop3A_476 = tpu.vector_load %arg8[%parallel_loop3A_474, %parallel_loop3A_475] {strides = array<i32>} : memref<2x4096xi32, #tpu.memory_space<vmem>>, vector<16xi32>,
      %parallel_loop3A_477 = vector.broadcast %parallel_loop3A_259 : i32 to vector<16xi32>
      %parallel_loop3A_478 = arith.andi %parallel_loop3A_476, %parallel_loop3A_477 : vector<16xi32>
      %parallel_loop3A_479 = tpu.vector_load_idx %arg6[%parallel_loop3A_478] : memref<100000xf32, #tpu.memory_space<vmem>>[vector<16xi32>], vector<16xf32>,
      %parallel_loop3A_480 = arith.constant 17 : i32
      %parallel_loop3A_481 = vector.broadcast %parallel_loop3A_480 : i32 to vector<16xi32>
      %parallel_loop3A_482 = arith.shrui %parallel_loop3A_476, %parallel_loop3A_481 : vector<16xi32>
      %parallel_loop3A_483 = tpu.vector_load_idx %arg7[%parallel_loop3A_482] : memref<1000xf32, #tpu.memory_space<vmem>>[vector<16xi32>], vector<16xf32>,
      %parallel_loop3A_484 = arith.addf %parallel_loop3A_479, %parallel_loop3A_483 : vector<16xf32>
      %parallel_loop3A_485 = arith.constant 0 : i32
      %parallel_loop3A_486 = arith.index_cast %parallel_loop3A_485 : i32 to index
      %parallel_loop3A_487 = arith.index_cast %parallel_loop3A_472 : i32 to index
      %parallel_loop3A_488 = tpu.vector_load %arg9[%parallel_loop3A_486, %parallel_loop3A_487] {strides = array<i32>} : memref<4x4096xf32, #tpu.memory_space<vmem>>, vector<16xf32>,
      tpu.vector_store %arg9[%parallel_loop3A_486, %parallel_loop3A_487], %parallel_loop3A_484 {strides = array<i32>} : memref<4x4096xf32, #tpu.memory_space<vmem>>, vector<16xf32>,
    } {sc.loop_unroll_factor = 8 : i64, sc.parallel_access}
    %dma_start3A_260 = arith.constant 0 : i32
    %dma_start3A_261 = arith.constant 0 : i32
    %dma_start3A_262 = tpu.memref_slice %arg9[%dma_start3A_260, %dma_start3A_261] : memref<4x4096xf32, #tpu.memory_space<vmem>> -> memref<1x4096xf32, #tpu.memory_space<vmem>>
    %dma_start3A_263 = tpu.memref_squeeze %dma_start3A_262 : memref<1x4096xf32, #tpu.memory_space<vmem>> -> memref<4096xf32, #tpu.memory_space<vmem>>
    %dma_start3A_264 = arith.constant 0 : i32
    %dma_start3A_265 = tpu.memref_slice %arg5[%add3A_196, %dma_start3A_264] : memref<64x16384xf32, #tpu.memory_space<hbm>> -> memref<1x4096xf32, #tpu.memory_space<hbm>>
    %dma_start3A_266 = tpu.memref_squeeze %dma_start3A_265 : memref<1x4096xf32, #tpu.memory_space<hbm>> -> memref<4096xf32, #tpu.memory_space<hbm>>
    %dma_start3A_267 = arith.constant 0 : i32
    %dma_start3A_268 = tpu.memref_slice %arg5[%add3A_196, %dma_start3A_267] : memref<64x16384xf32, #tpu.memory_space<hbm>> -> memref<1x4096xf32, #tpu.memory_space<hbm>>
    %dma_start3A_269 = tpu.memref_squeeze %dma_start3A_268 : memref<1x4096xf32, #tpu.memory_space<hbm>> -> memref<4096xf32, #tpu.memory_space<hbm>>
    %dma_start3A_270 = arith.constant 0 : i32
    %dma_start3A_271 = tpu.memref_slice %arg9[%dma_start3A_260, %dma_start3A_270] : memref<4x4096xf32, #tpu.memory_space<vmem>> -> memref<1x4096xf32, #tpu.memory_space<vmem>>
    %dma_start3A_272 = tpu.memref_squeeze %dma_start3A_271 : memref<1x4096xf32, #tpu.memory_space<vmem>> -> memref<4096xf32, #tpu.memory_space<vmem>>
    tpu.enqueue_dma source(%dma_start3A_272 : memref<4096xf32, #tpu.memory_space<vmem>>) target(%dma_start3A_269 : memref<4096xf32, #tpu.memory_space<hbm>>) target_semaphore(%arg11 : memref<!tpu.dma_semaphore, #tpu.memory_space<semaphore_mem>>)
    %dma_wait3A_273 = arith.constant 1 : i32
    %dma_wait3A_274 = arith.constant 0 : i32
    %dma_wait3A_275 = tpu.memref_slice %arg8[%dma_wait3A_273, %dma_wait3A_274] : memref<2x4096xi32, #tpu.memory_space<vmem>> -> memref<1x4096xi32, #tpu.memory_space<vmem>>
    %dma_wait3A_276 = tpu.memref_squeeze %dma_wait3A_275 : memref<1x4096xi32, #tpu.memory_space<vmem>> -> memref<4096xi32, #tpu.memory_space<vmem>>
    %dma_wait3A_277 = arith.constant 4096 : i32
    %dma_wait3A_278 = tpu.memref_slice %arg4[%dma_wait3A_277] : memref<16384xi32, #tpu.memory_space<hbm>> -> memref<4096xi32, #tpu.memory_space<hbm>>
    %dma_wait3A_279 = arith.constant 0 : i32
    %dma_wait3A_280 = tpu.memref_slice %arg8[%dma_wait3A_273, %dma_wait3A_279] : memref<2x4096xi32, #tpu.memory_space<vmem>> -> memref<1x4096xi32, #tpu.memory_space<vmem>>
    %dma_wait3A_281 = tpu.memref_squeeze %dma_wait3A_280 : memref<1x4096xi32, #tpu.memory_space<vmem>> -> memref<4096xi32, #tpu.memory_space<vmem>>
    %dma_wait3A_282 = arith.constant 4096 : i32
    %dma_wait3A_283 = tpu.memref_slice %arg4[%dma_wait3A_282] : memref<16384xi32, #tpu.memory_space<hbm>> -> memref<4096xi32, #tpu.memory_space<hbm>>
    tpu.wait_dma2 semaphore(%arg10 : memref<!tpu.dma_semaphore, #tpu.memory_space<semaphore_mem>>) src(%dma_wait3A_283 : memref<4096xi32, #tpu.memory_space<hbm>>) dst(%dma_wait3A_281 : memref<4096xi32, #tpu.memory_space<vmem>>)
    %dma_start3A_284 = arith.constant 0 : i32
    %dma_start3A_285 = arith.constant 0 : i32
    %dma_start3A_286 = tpu.memref_slice %arg8[%dma_start3A_284, %dma_start3A_285] : memref<2x4096xi32, #tpu.memory_space<vmem>> -> memref<1x4096xi32, #tpu.memory_space<vmem>>
    %dma_start3A_287 = tpu.memref_squeeze %dma_start3A_286 : memref<1x4096xi32, #tpu.memory_space<vmem>> -> memref<4096xi32, #tpu.memory_space<vmem>>
    %dma_start3A_288 = arith.constant 8192 : i32
    %dma_start3A_289 = tpu.memref_slice %arg4[%dma_start3A_288] : memref<16384xi32, #tpu.memory_space<hbm>> -> memref<4096xi32, #tpu.memory_space<hbm>>
    %dma_start3A_290 = arith.constant 0 : i32
    %dma_start3A_291 = tpu.memref_slice %arg8[%dma_start3A_284, %dma_start3A_290] : memref<2x4096xi32, #tpu.memory_space<vmem>> -> memref<1x4096xi32, #tpu.memory_space<vmem>>
    %dma_start3A_292 = tpu.memref_squeeze %dma_start3A_291 : memref<1x4096xi32, #tpu.memory_space<vmem>> -> memref<4096xi32, #tpu.memory_space<vmem>>
    %dma_start3A_293 = arith.constant 8192 : i32
    %dma_start3A_294 = tpu.memref_slice %arg4[%dma_start3A_293] : memref<16384xi32, #tpu.memory_space<hbm>> -> memref<4096xi32, #tpu.memory_space<hbm>>
    tpu.enqueue_dma source(%dma_start3A_294 : memref<4096xi32, #tpu.memory_space<hbm>>) target(%dma_start3A_292 : memref<4096xi32, #tpu.memory_space<vmem>>) target_semaphore(%arg10 : memref<!tpu.dma_semaphore, #tpu.memory_space<semaphore_mem>>)
    %dma_wait3A_295 = arith.constant 1 : i32
    %dma_wait3A_296 = arith.constant 0 : i32
    %dma_wait3A_297 = tpu.memref_slice %arg9[%dma_wait3A_295, %dma_wait3A_296] : memref<4x4096xf32, #tpu.memory_space<vmem>> -> memref<1x4096xf32, #tpu.memory_space<vmem>>
    %dma_wait3A_298 = tpu.memref_squeeze %dma_wait3A_297 : memref<1x4096xf32, #tpu.memory_space<vmem>> -> memref<4096xf32, #tpu.memory_space<vmem>>
    %dma_wait3A_299 = arith.constant 4096 : i32
    %dma_wait3A_300 = tpu.memref_slice %arg5[%add3A_14, %dma_wait3A_299] : memref<64x16384xf32, #tpu.memory_space<hbm>> -> memref<1x4096xf32, #tpu.memory_space<hbm>>
    %dma_wait3A_301 = tpu.memref_squeeze %dma_wait3A_300 : memref<1x4096xf32, #tpu.memory_space<hbm>> -> memref<4096xf32, #tpu.memory_space<hbm>>
    %dma_wait3A_302 = arith.constant 4096 : i32
    %dma_wait3A_303 = tpu.memref_slice %arg5[%add3A_14, %dma_wait3A_302] : memref<64x16384xf32, #tpu.memory_space<hbm>> -> memref<1x4096xf32, #tpu.memory_space<hbm>>
    %dma_wait3A_304 = tpu.memref_squeeze %dma_wait3A_303 : memref<1x4096xf32, #tpu.memory_space<hbm>> -> memref<4096xf32, #tpu.memory_space<hbm>>
    %dma_wait3A_305 = arith.constant 0 : i32
    %dma_wait3A_306 = tpu.memref_slice %arg9[%dma_wait3A_295, %dma_wait3A_305] : memref<4x4096xf32, #tpu.memory_space<vmem>> -> memref<1x4096xf32, #tpu.memory_space<vmem>>
    %dma_wait3A_307 = tpu.memref_squeeze %dma_wait3A_306 : memref<1x4096xf32, #tpu.memory_space<vmem>> -> memref<4096xf32, #tpu.memory_space<vmem>>
    tpu.wait_dma2 semaphore(%arg11 : memref<!tpu.dma_semaphore, #tpu.memory_space<semaphore_mem>>) src(%dma_wait3A_307 : memref<4096xf32, #tpu.memory_space<vmem>>) dst(%dma_wait3A_304 : memref<4096xf32, #tpu.memory_space<hbm>>)
    %parallel_loop3A_308 = arith.constant 0 : i32
    %parallel_loop3A_309 = arith.constant 256 : i32
    %parallel_loop3A_310 = arith.constant 1 : i32
    %parallel_loop3A_311 = arith.constant 131071 : i32
    scf.for %parallel_loop3A_470 = %parallel_loop3A_308 to %parallel_loop3A_309 step %parallel_loop3A_310  : i32 {
      %parallel_loop3A_471 = arith.constant 16 : i32
      %parallel_loop3A_472 = arith.muli %parallel_loop3A_470, %parallel_loop3A_471 : i32
      %parallel_loop3A_473 = arith.constant 1 : i32
      %parallel_loop3A_474 = arith.index_cast %parallel_loop3A_473 : i32 to index
      %parallel_loop3A_475 = arith.index_cast %parallel_loop3A_472 : i32 to index
      %parallel_loop3A_476 = tpu.vector_load %arg8[%parallel_loop3A_474, %parallel_loop3A_475] {strides = array<i32>} : memref<2x4096xi32, #tpu.memory_space<vmem>>, vector<16xi32>,
      %parallel_loop3A_477 = vector.broadcast %parallel_loop3A_311 : i32 to vector<16xi32>
      %parallel_loop3A_478 = arith.andi %parallel_loop3A_476, %parallel_loop3A_477 : vector<16xi32>
      %parallel_loop3A_479 = tpu.vector_load_idx %arg6[%parallel_loop3A_478] : memref<100000xf32, #tpu.memory_space<vmem>>[vector<16xi32>], vector<16xf32>,
      %parallel_loop3A_480 = arith.constant 17 : i32
      %parallel_loop3A_481 = vector.broadcast %parallel_loop3A_480 : i32 to vector<16xi32>
      %parallel_loop3A_482 = arith.shrui %parallel_loop3A_476, %parallel_loop3A_481 : vector<16xi32>
      %parallel_loop3A_483 = tpu.vector_load_idx %arg7[%parallel_loop3A_482] : memref<1000xf32, #tpu.memory_space<vmem>>[vector<16xi32>], vector<16xf32>,
      %parallel_loop3A_484 = arith.addf %parallel_loop3A_479, %parallel_loop3A_483 : vector<16xf32>
      %parallel_loop3A_485 = arith.constant 1 : i32
      %parallel_loop3A_486 = arith.index_cast %parallel_loop3A_485 : i32 to index
      %parallel_loop3A_487 = arith.index_cast %parallel_loop3A_472 : i32 to index
      %parallel_loop3A_488 = tpu.vector_load %arg9[%parallel_loop3A_486, %parallel_loop3A_487] {strides = array<i32>} : memref<4x4096xf32, #tpu.memory_space<vmem>>, vector<16xf32>,
      tpu.vector_store %arg9[%parallel_loop3A_486, %parallel_loop3A_487], %parallel_loop3A_484 {strides = array<i32>} : memref<4x4096xf32, #tpu.memory_space<vmem>>, vector<16xf32>,
    } {sc.loop_unroll_factor = 8 : i64, sc.parallel_access}
    %dma_start3A_312 = arith.constant 1 : i32
    %dma_start3A_313 = arith.constant 0 : i32
    %dma_start3A_314 = tpu.memref_slice %arg9[%dma_start3A_312, %dma_start3A_313] : memref<4x4096xf32, #tpu.memory_space<vmem>> -> memref<1x4096xf32, #tpu.memory_space<vmem>>
    %dma_start3A_315 = tpu.memref_squeeze %dma_start3A_314 : memref<1x4096xf32, #tpu.memory_space<vmem>> -> memref<4096xf32, #tpu.memory_space<vmem>>
    %dma_start3A_316 = arith.constant 4096 : i32
    %dma_start3A_317 = tpu.memref_slice %arg5[%add3A_196, %dma_start3A_316] : memref<64x16384xf32, #tpu.memory_space<hbm>> -> memref<1x4096xf32, #tpu.memory_space<hbm>>
    %dma_start3A_318 = tpu.memref_squeeze %dma_start3A_317 : memref<1x4096xf32, #tpu.memory_space<hbm>> -> memref<4096xf32, #tpu.memory_space<hbm>>
    %dma_start3A_319 = arith.constant 4096 : i32
    %dma_start3A_320 = tpu.memref_slice %arg5[%add3A_196, %dma_start3A_319] : memref<64x16384xf32, #tpu.memory_space<hbm>> -> memref<1x4096xf32, #tpu.memory_space<hbm>>
    %dma_start3A_321 = tpu.memref_squeeze %dma_start3A_320 : memref<1x4096xf32, #tpu.memory_space<hbm>> -> memref<4096xf32, #tpu.memory_space<hbm>>
    %dma_start3A_322 = arith.constant 0 : i32
    %dma_start3A_323 = tpu.memref_slice %arg9[%dma_start3A_312, %dma_start3A_322] : memref<4x4096xf32, #tpu.memory_space<vmem>> -> memref<1x4096xf32, #tpu.memory_space<vmem>>
    %dma_start3A_324 = tpu.memref_squeeze %dma_start3A_323 : memref<1x4096xf32, #tpu.memory_space<vmem>> -> memref<4096xf32, #tpu.memory_space<vmem>>
    tpu.enqueue_dma source(%dma_start3A_324 : memref<4096xf32, #tpu.memory_space<vmem>>) target(%dma_start3A_321 : memref<4096xf32, #tpu.memory_space<hbm>>) target_semaphore(%arg11 : memref<!tpu.dma_semaphore, #tpu.memory_space<semaphore_mem>>)
    %dma_wait3A_325 = arith.constant 0 : i32
    %dma_wait3A_326 = arith.constant 0 : i32
    %dma_wait3A_327 = tpu.memref_slice %arg8[%dma_wait3A_325, %dma_wait3A_326] : memref<2x4096xi32, #tpu.memory_space<vmem>> -> memref<1x4096xi32, #tpu.memory_space<vmem>>
    %dma_wait3A_328 = tpu.memref_squeeze %dma_wait3A_327 : memref<1x4096xi32, #tpu.memory_space<vmem>> -> memref<4096xi32, #tpu.memory_space<vmem>>
    %dma_wait3A_329 = arith.constant 8192 : i32
    %dma_wait3A_330 = tpu.memref_slice %arg4[%dma_wait3A_329] : memref<16384xi32, #tpu.memory_space<hbm>> -> memref<4096xi32, #tpu.memory_space<hbm>>
    %dma_wait3A_331 = arith.constant 0 : i32
    %dma_wait3A_332 = tpu.memref_slice %arg8[%dma_wait3A_325, %dma_wait3A_331] : memref<2x4096xi32, #tpu.memory_space<vmem>> -> memref<1x4096xi32, #tpu.memory_space<vmem>>
    %dma_wait3A_333 = tpu.memref_squeeze %dma_wait3A_332 : memref<1x4096xi32, #tpu.memory_space<vmem>> -> memref<4096xi32, #tpu.memory_space<vmem>>
    %dma_wait3A_334 = arith.constant 8192 : i32
    %dma_wait3A_335 = tpu.memref_slice %arg4[%dma_wait3A_334] : memref<16384xi32, #tpu.memory_space<hbm>> -> memref<4096xi32, #tpu.memory_space<hbm>>
    tpu.wait_dma2 semaphore(%arg10 : memref<!tpu.dma_semaphore, #tpu.memory_space<semaphore_mem>>) src(%dma_wait3A_335 : memref<4096xi32, #tpu.memory_space<hbm>>) dst(%dma_wait3A_333 : memref<4096xi32, #tpu.memory_space<vmem>>)
    %dma_start3A_336 = arith.constant 1 : i32
    %dma_start3A_337 = arith.constant 0 : i32
    %dma_start3A_338 = tpu.memref_slice %arg8[%dma_start3A_336, %dma_start3A_337] : memref<2x4096xi32, #tpu.memory_space<vmem>> -> memref<1x4096xi32, #tpu.memory_space<vmem>>
    %dma_start3A_339 = tpu.memref_squeeze %dma_start3A_338 : memref<1x4096xi32, #tpu.memory_space<vmem>> -> memref<4096xi32, #tpu.memory_space<vmem>>
    %dma_start3A_340 = arith.constant 12288 : i32
    %dma_start3A_341 = tpu.memref_slice %arg4[%dma_start3A_340] : memref<16384xi32, #tpu.memory_space<hbm>> -> memref<4096xi32, #tpu.memory_space<hbm>>
    %dma_start3A_342 = arith.constant 0 : i32
    %dma_start3A_343 = tpu.memref_slice %arg8[%dma_start3A_336, %dma_start3A_342] : memref<2x4096xi32, #tpu.memory_space<vmem>> -> memref<1x4096xi32, #tpu.memory_space<vmem>>
    %dma_start3A_344 = tpu.memref_squeeze %dma_start3A_343 : memref<1x4096xi32, #tpu.memory_space<vmem>> -> memref<4096xi32, #tpu.memory_space<vmem>>
    %dma_start3A_345 = arith.constant 12288 : i32
    %dma_start3A_346 = tpu.memref_slice %arg4[%dma_start3A_345] : memref<16384xi32, #tpu.memory_space<hbm>> -> memref<4096xi32, #tpu.memory_space<hbm>>
    tpu.enqueue_dma source(%dma_start3A_346 : memref<4096xi32, #tpu.memory_space<hbm>>) target(%dma_start3A_344 : memref<4096xi32, #tpu.memory_space<vmem>>) target_semaphore(%arg10 : memref<!tpu.dma_semaphore, #tpu.memory_space<semaphore_mem>>)
    %dma_wait3A_347 = arith.constant 2 : i32
    %dma_wait3A_348 = arith.constant 0 : i32
    %dma_wait3A_349 = tpu.memref_slice %arg9[%dma_wait3A_347, %dma_wait3A_348] : memref<4x4096xf32, #tpu.memory_space<vmem>> -> memref<1x4096xf32, #tpu.memory_space<vmem>>
    %dma_wait3A_350 = tpu.memref_squeeze %dma_wait3A_349 : memref<1x4096xf32, #tpu.memory_space<vmem>> -> memref<4096xf32, #tpu.memory_space<vmem>>
    %dma_wait3A_351 = arith.constant 8192 : i32
    %dma_wait3A_352 = tpu.memref_slice %arg5[%add3A_14, %dma_wait3A_351] : memref<64x16384xf32, #tpu.memory_space<hbm>> -> memref<1x4096xf32, #tpu.memory_space<hbm>>
    %dma_wait3A_353 = tpu.memref_squeeze %dma_wait3A_352 : memref<1x4096xf32, #tpu.memory_space<hbm>> -> memref<4096xf32, #tpu.memory_space<hbm>>
    %dma_wait3A_354 = arith.constant 8192 : i32
    %dma_wait3A_355 = tpu.memref_slice %arg5[%add3A_14, %dma_wait3A_354] : memref<64x16384xf32, #tpu.memory_space<hbm>> -> memref<1x4096xf32, #tpu.memory_space<hbm>>
    %dma_wait3A_356 = tpu.memref_squeeze %dma_wait3A_355 : memref<1x4096xf32, #tpu.memory_space<hbm>> -> memref<4096xf32, #tpu.memory_space<hbm>>
    %dma_wait3A_357 = arith.constant 0 : i32
    %dma_wait3A_358 = tpu.memref_slice %arg9[%dma_wait3A_347, %dma_wait3A_357] : memref<4x4096xf32, #tpu.memory_space<vmem>> -> memref<1x4096xf32, #tpu.memory_space<vmem>>
    %dma_wait3A_359 = tpu.memref_squeeze %dma_wait3A_358 : memref<1x4096xf32, #tpu.memory_space<vmem>> -> memref<4096xf32, #tpu.memory_space<vmem>>
    tpu.wait_dma2 semaphore(%arg11 : memref<!tpu.dma_semaphore, #tpu.memory_space<semaphore_mem>>) src(%dma_wait3A_359 : memref<4096xf32, #tpu.memory_space<vmem>>) dst(%dma_wait3A_356 : memref<4096xf32, #tpu.memory_space<hbm>>)
    %parallel_loop3A_360 = arith.constant 0 : i32
    %parallel_loop3A_361 = arith.constant 256 : i32
    %parallel_loop3A_362 = arith.constant 1 : i32
    %parallel_loop3A_363 = arith.constant 131071 : i32
    scf.for %parallel_loop3A_470 = %parallel_loop3A_360 to %parallel_loop3A_361 step %parallel_loop3A_362  : i32 {
      %parallel_loop3A_471 = arith.constant 16 : i32
      %parallel_loop3A_472 = arith.muli %parallel_loop3A_470, %parallel_loop3A_471 : i32
      %parallel_loop3A_473 = arith.constant 0 : i32
      %parallel_loop3A_474 = arith.index_cast %parallel_loop3A_473 : i32 to index
      %parallel_loop3A_475 = arith.index_cast %parallel_loop3A_472 : i32 to index
      %parallel_loop3A_476 = tpu.vector_load %arg8[%parallel_loop3A_474, %parallel_loop3A_475] {strides = array<i32>} : memref<2x4096xi32, #tpu.memory_space<vmem>>, vector<16xi32>,
      %parallel_loop3A_477 = vector.broadcast %parallel_loop3A_363 : i32 to vector<16xi32>
      %parallel_loop3A_478 = arith.andi %parallel_loop3A_476, %parallel_loop3A_477 : vector<16xi32>
      %parallel_loop3A_479 = tpu.vector_load_idx %arg6[%parallel_loop3A_478] : memref<100000xf32, #tpu.memory_space<vmem>>[vector<16xi32>], vector<16xf32>,
      %parallel_loop3A_480 = arith.constant 17 : i32
      %parallel_loop3A_481 = vector.broadcast %parallel_loop3A_480 : i32 to vector<16xi32>
      %parallel_loop3A_482 = arith.shrui %parallel_loop3A_476, %parallel_loop3A_481 : vector<16xi32>
      %parallel_loop3A_483 = tpu.vector_load_idx %arg7[%parallel_loop3A_482] : memref<1000xf32, #tpu.memory_space<vmem>>[vector<16xi32>], vector<16xf32>,
      %parallel_loop3A_484 = arith.addf %parallel_loop3A_479, %parallel_loop3A_483 : vector<16xf32>
      %parallel_loop3A_485 = arith.constant 2 : i32
      %parallel_loop3A_486 = arith.index_cast %parallel_loop3A_485 : i32 to index
      %parallel_loop3A_487 = arith.index_cast %parallel_loop3A_472 : i32 to index
      %parallel_loop3A_488 = tpu.vector_load %arg9[%parallel_loop3A_486, %parallel_loop3A_487] {strides = array<i32>} : memref<4x4096xf32, #tpu.memory_space<vmem>>, vector<16xf32>,
      tpu.vector_store %arg9[%parallel_loop3A_486, %parallel_loop3A_487], %parallel_loop3A_484 {strides = array<i32>} : memref<4x4096xf32, #tpu.memory_space<vmem>>, vector<16xf32>,
    } {sc.loop_unroll_factor = 8 : i64, sc.parallel_access}
    %dma_start3A_364 = arith.constant 2 : i32
    %dma_start3A_365 = arith.constant 0 : i32
    %dma_start3A_366 = tpu.memref_slice %arg9[%dma_start3A_364, %dma_start3A_365] : memref<4x4096xf32, #tpu.memory_space<vmem>> -> memref<1x4096xf32, #tpu.memory_space<vmem>>
    %dma_start3A_367 = tpu.memref_squeeze %dma_start3A_366 : memref<1x4096xf32, #tpu.memory_space<vmem>> -> memref<4096xf32, #tpu.memory_space<vmem>>
    %dma_start3A_368 = arith.constant 8192 : i32
    %dma_start3A_369 = tpu.memref_slice %arg5[%add3A_196, %dma_start3A_368] : memref<64x16384xf32, #tpu.memory_space<hbm>> -> memref<1x4096xf32, #tpu.memory_space<hbm>>
    %dma_start3A_370 = tpu.memref_squeeze %dma_start3A_369 : memref<1x4096xf32, #tpu.memory_space<hbm>> -> memref<4096xf32, #tpu.memory_space<hbm>>
    %dma_start3A_371 = arith.constant 8192 : i32
    %dma_start3A_372 = tpu.memref_slice %arg5[%add3A_196, %dma_start3A_371] : memref<64x16384xf32, #tpu.memory_space<hbm>> -> memref<1x4096xf32, #tpu.memory_space<hbm>>
    %dma_start3A_373 = tpu.memref_squeeze %dma_start3A_372 : memref<1x4096xf32, #tpu.memory_space<hbm>> -> memref<4096xf32, #tpu.memory_space<hbm>>
    %dma_start3A_374 = arith.constant 0 : i32
    %dma_start3A_375 = tpu.memref_slice %arg9[%dma_start3A_364, %dma_start3A_374] : memref<4x4096xf32, #tpu.memory_space<vmem>> -> memref<1x4096xf32, #tpu.memory_space<vmem>>
    %dma_start3A_376 = tpu.memref_squeeze %dma_start3A_375 : memref<1x4096xf32, #tpu.memory_space<vmem>> -> memref<4096xf32, #tpu.memory_space<vmem>>
    tpu.enqueue_dma source(%dma_start3A_376 : memref<4096xf32, #tpu.memory_space<vmem>>) target(%dma_start3A_373 : memref<4096xf32, #tpu.memory_space<hbm>>) target_semaphore(%arg11 : memref<!tpu.dma_semaphore, #tpu.memory_space<semaphore_mem>>)
    %dma_wait3A_377 = arith.constant 1 : i32
    %dma_wait3A_378 = arith.constant 0 : i32
    %dma_wait3A_379 = tpu.memref_slice %arg8[%dma_wait3A_377, %dma_wait3A_378] : memref<2x4096xi32, #tpu.memory_space<vmem>> -> memref<1x4096xi32, #tpu.memory_space<vmem>>
    %dma_wait3A_380 = tpu.memref_squeeze %dma_wait3A_379 : memref<1x4096xi32, #tpu.memory_space<vmem>> -> memref<4096xi32, #tpu.memory_space<vmem>>
    %dma_wait3A_381 = arith.constant 12288 : i32
    %dma_wait3A_382 = tpu.memref_slice %arg4[%dma_wait3A_381] : memref<16384xi32, #tpu.memory_space<hbm>> -> memref<4096xi32, #tpu.memory_space<hbm>>
    %dma_wait3A_383 = arith.constant 0 : i32
    %dma_wait3A_384 = tpu.memref_slice %arg8[%dma_wait3A_377, %dma_wait3A_383] : memref<2x4096xi32, #tpu.memory_space<vmem>> -> memref<1x4096xi32, #tpu.memory_space<vmem>>
    %dma_wait3A_385 = tpu.memref_squeeze %dma_wait3A_384 : memref<1x4096xi32, #tpu.memory_space<vmem>> -> memref<4096xi32, #tpu.memory_space<vmem>>
    %dma_wait3A_386 = arith.constant 12288 : i32
    %dma_wait3A_387 = tpu.memref_slice %arg4[%dma_wait3A_386] : memref<16384xi32, #tpu.memory_space<hbm>> -> memref<4096xi32, #tpu.memory_space<hbm>>
    tpu.wait_dma2 semaphore(%arg10 : memref<!tpu.dma_semaphore, #tpu.memory_space<semaphore_mem>>) src(%dma_wait3A_387 : memref<4096xi32, #tpu.memory_space<hbm>>) dst(%dma_wait3A_385 : memref<4096xi32, #tpu.memory_space<vmem>>)
    %dma_wait3A_388 = arith.constant 3 : i32
    %dma_wait3A_389 = arith.constant 0 : i32
    %dma_wait3A_390 = tpu.memref_slice %arg9[%dma_wait3A_388, %dma_wait3A_389] : memref<4x4096xf32, #tpu.memory_space<vmem>> -> memref<1x4096xf32, #tpu.memory_space<vmem>>
    %dma_wait3A_391 = tpu.memref_squeeze %dma_wait3A_390 : memref<1x4096xf32, #tpu.memory_space<vmem>> -> memref<4096xf32, #tpu.memory_space<vmem>>
    %dma_wait3A_392 = arith.constant 12288 : i32
    %dma_wait3A_393 = tpu.memref_slice %arg5[%add3A_14, %dma_wait3A_392] : memref<64x16384xf32, #tpu.memory_space<hbm>> -> memref<1x4096xf32, #tpu.memory_space<hbm>>
    %dma_wait3A_394 = tpu.memref_squeeze %dma_wait3A_393 : memref<1x4096xf32, #tpu.memory_space<hbm>> -> memref<4096xf32, #tpu.memory_space<hbm>>
    %dma_wait3A_395 = arith.constant 12288 : i32
    %dma_wait3A_396 = tpu.memref_slice %arg5[%add3A_14, %dma_wait3A_395] : memref<64x16384xf32, #tpu.memory_space<hbm>> -> memref<1x4096xf32, #tpu.memory_space<hbm>>
    %dma_wait3A_397 = tpu.memref_squeeze %dma_wait3A_396 : memref<1x4096xf32, #tpu.memory_space<hbm>> -> memref<4096xf32, #tpu.memory_space<hbm>>
    %dma_wait3A_398 = arith.constant 0 : i32
    %dma_wait3A_399 = tpu.memref_slice %arg9[%dma_wait3A_388, %dma_wait3A_398] : memref<4x4096xf32, #tpu.memory_space<vmem>> -> memref<1x4096xf32, #tpu.memory_space<vmem>>
    %dma_wait3A_400 = tpu.memref_squeeze %dma_wait3A_399 : memref<1x4096xf32, #tpu.memory_space<vmem>> -> memref<4096xf32, #tpu.memory_space<vmem>>
    tpu.wait_dma2 semaphore(%arg11 : memref<!tpu.dma_semaphore, #tpu.memory_space<semaphore_mem>>) src(%dma_wait3A_400 : memref<4096xf32, #tpu.memory_space<vmem>>) dst(%dma_wait3A_397 : memref<4096xf32, #tpu.memory_space<hbm>>)
    %parallel_loop3A_401 = arith.constant 0 : i32
    %parallel_loop3A_402 = arith.constant 256 : i32
    %parallel_loop3A_403 = arith.constant 1 : i32
    %parallel_loop3A_404 = arith.constant 131071 : i32
    scf.for %parallel_loop3A_470 = %parallel_loop3A_401 to %parallel_loop3A_402 step %parallel_loop3A_403  : i32 {
      %parallel_loop3A_471 = arith.constant 16 : i32
      %parallel_loop3A_472 = arith.muli %parallel_loop3A_470, %parallel_loop3A_471 : i32
      %parallel_loop3A_473 = arith.constant 1 : i32
      %parallel_loop3A_474 = arith.index_cast %parallel_loop3A_473 : i32 to index
      %parallel_loop3A_475 = arith.index_cast %parallel_loop3A_472 : i32 to index
      %parallel_loop3A_476 = tpu.vector_load %arg8[%parallel_loop3A_474, %parallel_loop3A_475] {strides = array<i32>} : memref<2x4096xi32, #tpu.memory_space<vmem>>, vector<16xi32>,
      %parallel_loop3A_477 = vector.broadcast %parallel_loop3A_404 : i32 to vector<16xi32>
      %parallel_loop3A_478 = arith.andi %parallel_loop3A_476, %parallel_loop3A_477 : vector<16xi32>
      %parallel_loop3A_479 = tpu.vector_load_idx %arg6[%parallel_loop3A_478] : memref<100000xf32, #tpu.memory_space<vmem>>[vector<16xi32>], vector<16xf32>,
      %parallel_loop3A_480 = arith.constant 17 : i32
      %parallel_loop3A_481 = vector.broadcast %parallel_loop3A_480 : i32 to vector<16xi32>
      %parallel_loop3A_482 = arith.shrui %parallel_loop3A_476, %parallel_loop3A_481 : vector<16xi32>
      %parallel_loop3A_483 = tpu.vector_load_idx %arg7[%parallel_loop3A_482] : memref<1000xf32, #tpu.memory_space<vmem>>[vector<16xi32>], vector<16xf32>,
      %parallel_loop3A_484 = arith.addf %parallel_loop3A_479, %parallel_loop3A_483 : vector<16xf32>
      %parallel_loop3A_485 = arith.constant 3 : i32
      %parallel_loop3A_486 = arith.index_cast %parallel_loop3A_485 : i32 to index
      %parallel_loop3A_487 = arith.index_cast %parallel_loop3A_472 : i32 to index
      %parallel_loop3A_488 = tpu.vector_load %arg9[%parallel_loop3A_486, %parallel_loop3A_487] {strides = array<i32>} : memref<4x4096xf32, #tpu.memory_space<vmem>>, vector<16xf32>,
      tpu.vector_store %arg9[%parallel_loop3A_486, %parallel_loop3A_487], %parallel_loop3A_484 {strides = array<i32>} : memref<4x4096xf32, #tpu.memory_space<vmem>>, vector<16xf32>,
    } {sc.loop_unroll_factor = 8 : i64, sc.parallel_access}
    %dma_start3A_405 = arith.constant 3 : i32
    %dma_start3A_406 = arith.constant 0 : i32
    %dma_start3A_407 = tpu.memref_slice %arg9[%dma_start3A_405, %dma_start3A_406] : memref<4x4096xf32, #tpu.memory_space<vmem>> -> memref<1x4096xf32, #tpu.memory_space<vmem>>
    %dma_start3A_408 = tpu.memref_squeeze %dma_start3A_407 : memref<1x4096xf32, #tpu.memory_space<vmem>> -> memref<4096xf32, #tpu.memory_space<vmem>>
    %dma_start3A_409 = arith.constant 12288 : i32
    %dma_start3A_410 = tpu.memref_slice %arg5[%add3A_196, %dma_start3A_409] : memref<64x16384xf32, #tpu.memory_space<hbm>> -> memref<1x4096xf32, #tpu.memory_space<hbm>>
    %dma_start3A_411 = tpu.memref_squeeze %dma_start3A_410 : memref<1x4096xf32, #tpu.memory_space<hbm>> -> memref<4096xf32, #tpu.memory_space<hbm>>
    %dma_start3A_412 = arith.constant 12288 : i32
    %dma_start3A_413 = tpu.memref_slice %arg5[%add3A_196, %dma_start3A_412] : memref<64x16384xf32, #tpu.memory_space<hbm>> -> memref<1x4096xf32, #tpu.memory_space<hbm>>
    %dma_start3A_414 = tpu.memref_squeeze %dma_start3A_413 : memref<1x4096xf32, #tpu.memory_space<hbm>> -> memref<4096xf32, #tpu.memory_space<hbm>>
    %dma_start3A_415 = arith.constant 0 : i32
    %dma_start3A_416 = tpu.memref_slice %arg9[%dma_start3A_405, %dma_start3A_415] : memref<4x4096xf32, #tpu.memory_space<vmem>> -> memref<1x4096xf32, #tpu.memory_space<vmem>>
    %dma_start3A_417 = tpu.memref_squeeze %dma_start3A_416 : memref<1x4096xf32, #tpu.memory_space<vmem>> -> memref<4096xf32, #tpu.memory_space<vmem>>
    tpu.enqueue_dma source(%dma_start3A_417 : memref<4096xf32, #tpu.memory_space<vmem>>) target(%dma_start3A_414 : memref<4096xf32, #tpu.memory_space<hbm>>) target_semaphore(%arg11 : memref<!tpu.dma_semaphore, #tpu.memory_space<semaphore_mem>>)
    %dma_wait3A_418 = arith.constant 0 : i32
    %dma_wait3A_419 = arith.constant 0 : i32
    %dma_wait3A_420 = tpu.memref_slice %arg9[%dma_wait3A_418, %dma_wait3A_419] : memref<4x4096xf32, #tpu.memory_space<vmem>> -> memref<1x4096xf32, #tpu.memory_space<vmem>>
    %dma_wait3A_421 = tpu.memref_squeeze %dma_wait3A_420 : memref<1x4096xf32, #tpu.memory_space<vmem>> -> memref<4096xf32, #tpu.memory_space<vmem>>
    %dma_wait3A_422 = arith.constant 0 : i32
    %dma_wait3A_423 = tpu.memref_slice %arg5[%add3A_196, %dma_wait3A_422] : memref<64x16384xf32, #tpu.memory_space<hbm>> -> memref<1x4096xf32, #tpu.memory_space<hbm>>
    %dma_wait3A_424 = tpu.memref_squeeze %dma_wait3A_423 : memref<1x4096xf32, #tpu.memory_space<hbm>> -> memref<4096xf32, #tpu.memory_space<hbm>>
    %dma_wait3A_425 = arith.constant 0 : i32
    %dma_wait3A_426 = tpu.memref_slice %arg5[%add3A_196, %dma_wait3A_425] : memref<64x16384xf32, #tpu.memory_space<hbm>> -> memref<1x4096xf32, #tpu.memory_space<hbm>>
    %dma_wait3A_427 = tpu.memref_squeeze %dma_wait3A_426 : memref<1x4096xf32, #tpu.memory_space<hbm>> -> memref<4096xf32, #tpu.memory_space<hbm>>
    %dma_wait3A_428 = arith.constant 0 : i32
    %dma_wait3A_429 = tpu.memref_slice %arg9[%dma_wait3A_418, %dma_wait3A_428] : memref<4x4096xf32, #tpu.memory_space<vmem>> -> memref<1x4096xf32, #tpu.memory_space<vmem>>
    %dma_wait3A_430 = tpu.memref_squeeze %dma_wait3A_429 : memref<1x4096xf32, #tpu.memory_space<vmem>> -> memref<4096xf32, #tpu.memory_space<vmem>>
    tpu.wait_dma2 semaphore(%arg11 : memref<!tpu.dma_semaphore, #tpu.memory_space<semaphore_mem>>) src(%dma_wait3A_430 : memref<4096xf32, #tpu.memory_space<vmem>>) dst(%dma_wait3A_427 : memref<4096xf32, #tpu.memory_space<hbm>>)
    %dma_wait3A_431 = arith.constant 1 : i32
    %dma_wait3A_432 = arith.constant 0 : i32
    %dma_wait3A_433 = tpu.memref_slice %arg9[%dma_wait3A_431, %dma_wait3A_432] : memref<4x4096xf32, #tpu.memory_space<vmem>> -> memref<1x4096xf32, #tpu.memory_space<vmem>>
    %dma_wait3A_434 = tpu.memref_squeeze %dma_wait3A_433 : memref<1x4096xf32, #tpu.memory_space<vmem>> -> memref<4096xf32, #tpu.memory_space<vmem>>
    %dma_wait3A_435 = arith.constant 4096 : i32
    %dma_wait3A_436 = tpu.memref_slice %arg5[%add3A_196, %dma_wait3A_435] : memref<64x16384xf32, #tpu.memory_space<hbm>> -> memref<1x4096xf32, #tpu.memory_space<hbm>>
    %dma_wait3A_437 = tpu.memref_squeeze %dma_wait3A_436 : memref<1x4096xf32, #tpu.memory_space<hbm>> -> memref<4096xf32, #tpu.memory_space<hbm>>
    %dma_wait3A_438 = arith.constant 4096 : i32
    %dma_wait3A_439 = tpu.memref_slice %arg5[%add3A_196, %dma_wait3A_438] : memref<64x16384xf32, #tpu.memory_space<hbm>> -> memref<1x4096xf32, #tpu.memory_space<hbm>>
    %dma_wait3A_440 = tpu.memref_squeeze %dma_wait3A_439 : memref<1x4096xf32, #tpu.memory_space<hbm>> -> memref<4096xf32, #tpu.memory_space<hbm>>
    %dma_wait3A_441 = arith.constant 0 : i32
    %dma_wait3A_442 = tpu.memref_slice %arg9[%dma_wait3A_431, %dma_wait3A_441] : memref<4x4096xf32, #tpu.memory_space<vmem>> -> memref<1x4096xf32, #tpu.memory_space<vmem>>
    %dma_wait3A_443 = tpu.memref_squeeze %dma_wait3A_442 : memref<1x4096xf32, #tpu.memory_space<vmem>> -> memref<4096xf32, #tpu.memory_space<vmem>>
    tpu.wait_dma2 semaphore(%arg11 : memref<!tpu.dma_semaphore, #tpu.memory_space<semaphore_mem>>) src(%dma_wait3A_443 : memref<4096xf32, #tpu.memory_space<vmem>>) dst(%dma_wait3A_440 : memref<4096xf32, #tpu.memory_space<hbm>>)
    %dma_wait3A_444 = arith.constant 2 : i32
    %dma_wait3A_445 = arith.constant 0 : i32
    %dma_wait3A_446 = tpu.memref_slice %arg9[%dma_wait3A_444, %dma_wait3A_445] : memref<4x4096xf32, #tpu.memory_space<vmem>> -> memref<1x4096xf32, #tpu.memory_space<vmem>>
    %dma_wait3A_447 = tpu.memref_squeeze %dma_wait3A_446 : memref<1x4096xf32, #tpu.memory_space<vmem>> -> memref<4096xf32, #tpu.memory_space<vmem>>
    %dma_wait3A_448 = arith.constant 8192 : i32
    %dma_wait3A_449 = tpu.memref_slice %arg5[%add3A_196, %dma_wait3A_448] : memref<64x16384xf32, #tpu.memory_space<hbm>> -> memref<1x4096xf32, #tpu.memory_space<hbm>>
    %dma_wait3A_450 = tpu.memref_squeeze %dma_wait3A_449 : memref<1x4096xf32, #tpu.memory_space<hbm>> -> memref<4096xf32, #tpu.memory_space<hbm>>
    %dma_wait3A_451 = arith.constant 8192 : i32
    %dma_wait3A_452 = tpu.memref_slice %arg5[%add3A_196, %dma_wait3A_451] : memref<64x16384xf32, #tpu.memory_space<hbm>> -> memref<1x4096xf32, #tpu.memory_space<hbm>>
    %dma_wait3A_453 = tpu.memref_squeeze %dma_wait3A_452 : memref<1x4096xf32, #tpu.memory_space<hbm>> -> memref<4096xf32, #tpu.memory_space<hbm>>
    %dma_wait3A_454 = arith.constant 0 : i32
    %dma_wait3A_455 = tpu.memref_slice %arg9[%dma_wait3A_444, %dma_wait3A_454] : memref<4x4096xf32, #tpu.memory_space<vmem>> -> memref<1x4096xf32, #tpu.memory_space<vmem>>
    %dma_wait3A_456 = tpu.memref_squeeze %dma_wait3A_455 : memref<1x4096xf32, #tpu.memory_space<vmem>> -> memref<4096xf32, #tpu.memory_space<vmem>>
    tpu.wait_dma2 semaphore(%arg11 : memref<!tpu.dma_semaphore, #tpu.memory_space<semaphore_mem>>) src(%dma_wait3A_456 : memref<4096xf32, #tpu.memory_space<vmem>>) dst(%dma_wait3A_453 : memref<4096xf32, #tpu.memory_space<hbm>>)
    %dma_wait3A_457 = arith.constant 3 : i32
    %dma_wait3A_458 = arith.constant 0 : i32
    %dma_wait3A_459 = tpu.memref_slice %arg9[%dma_wait3A_457, %dma_wait3A_458] : memref<4x4096xf32, #tpu.memory_space<vmem>> -> memref<1x4096xf32, #tpu.memory_space<vmem>>
    %dma_wait3A_460 = tpu.memref_squeeze %dma_wait3A_459 : memref<1x4096xf32, #tpu.memory_space<vmem>> -> memref<4096xf32, #tpu.memory_space<vmem>>
    %dma_wait3A_461 = arith.constant 12288 : i32
    %dma_wait3A_462 = tpu.memref_slice %arg5[%add3A_196, %dma_wait3A_461] : memref<64x16384xf32, #tpu.memory_space<hbm>> -> memref<1x4096xf32, #tpu.memory_space<hbm>>
    %dma_wait3A_463 = tpu.memref_squeeze %dma_wait3A_462 : memref<1x4096xf32, #tpu.memory_space<hbm>> -> memref<4096xf32, #tpu.memory_space<hbm>>
    %dma_wait3A_464 = arith.constant 12288 : i32
    %dma_wait3A_465 = tpu.memref_slice %arg5[%add3A_196, %dma_wait3A_464] : memref<64x16384xf32, #tpu.memory_space<hbm>> -> memref<1x4096xf32, #tpu.memory_space<hbm>>
    %dma_wait3A_466 = tpu.memref_squeeze %dma_wait3A_465 : memref<1x4096xf32, #tpu.memory_space<hbm>> -> memref<4096xf32, #tpu.memory_space<hbm>>
    %dma_wait3A_467 = arith.constant 0 : i32
    %dma_wait3A_468 = tpu.memref_slice %arg9[%dma_wait3A_457, %dma_wait3A_467] : memref<4x4096xf32, #tpu.memory_space<vmem>> -> memref<1x4096xf32, #tpu.memory_space<vmem>>
    %dma_wait3A_469 = tpu.memref_squeeze %dma_wait3A_468 : memref<1x4096xf32, #tpu.memory_space<vmem>> -> memref<4096xf32, #tpu.memory_space<vmem>>
    tpu.wait_dma2 semaphore(%arg11 : memref<!tpu.dma_semaphore, #tpu.memory_space<semaphore_mem>>) src(%dma_wait3A_469 : memref<4096xf32, #tpu.memory_space<vmem>>) dst(%dma_wait3A_466 : memref<4096xf32, #tpu.memory_space<hbm>>)
    return
  }
}

</mosaic_0001>

<sc_bundles>
// kernel: kernel.3.cloned.1.call-start
scs
__scs_entry_jumppad:
0x0: {  	(pc) =	sbr.rel $0x88, $3  }
0x1: {  	(tag) =	ssettag $0x0;
	lr =	simm.s32 $0x1  }
0x2: {  	[smem:$0x3F9D] =	sst lr;
	_ =	strace $0xD0000000  }
0x3: {  	_ = 	snop  }
0x4: {  	_ = 	snop  }
0x5: {  	_ = 	snop  }
0x6: {  	_ = 	snop  }
0x7: {  	_ = 	snop  }
__scs_overlays_trampoline_lowered:
0x8: {  	[smem:$0x3FAC] =	sst s0  }
0x9: {  	[smem:$0x3FAD] =	sst s1  }
0xa: {  	[smem:$0x3FAE] =	sst s2  }
0xb: {  	[smem:$0x3FAF] =	sst s3  }
0xc: {  	[smem:$0x3FB0] =	sst s4  }
0xd: {  	[smem:$0x3FB1] =	sst s5  }
0xe: {  	[smem:$0x3FB2] =	sst s6  }
0xf: {  	[smem:$0x3FB3] =	sst s7  }
0x10: {  	[smem:$0x3FB4] =	sst s8  }
0x11: {  	[smem:$0x3FB5] =	sst s9;
	s0 =	simm.s32 @!p0 $0x0  }
0x12: {  	s1 =	sld [smem:$0x3F9B];
	s0 =	simm.s32 @p0 $0x1  }
0x13: {  	[smem:$0x3FB6] =	sst s0;
	s0 =	simm.s32 @!p1 $0x0  }
0x14: {  	s2 =	sld [smem:$0x3F9A];
	s0 =	simm.s32 @p1 $0x1  }
0x15: {  	[smem:$0x3FB7] =	sst s0;
	s0 =	simm.s32 @!p2 $0x0  }
0x16: {  	s3 =	sld [smem:$0x3FDB];
	s0 =	simm.s32 @p2 $0x1  }
0x17: {  	s4 =	simm.s32 $0x1BF5;
	[smem:$0x3FB9] =	sst s0  }
0x18: {  	s0 =	sld [smem:$0x3F9C];
	_ =	swait.ge [sflag:s4], $0x0  }
0x19: {  	s7 =	sld [smem:$0x3F9D]  }
0x1a: {  	s8 =	sadd.s32 $0xFFFFE003, lr  }
0x1b: {  	s9 =	sadd.s32 $0xFFFFFEF7, lr;
	s5 =	simm.s32 $0xFFFFFFFF;
	p2 =	slt.u32 s8, $0xFFFFF086  }
0x1c: {  	p1 =	slt.u32 s9, $0xF7A;
	s5 =	simm.s32 @!p2 $0x0  }
0x1d: {  	s5 =	simm.s32 @p1 $0x1;
	p0 =	seq.s32 s7, s2  }
0x1e: {  	s7 =	smul.u32 @!p0 $0xF7A, s2;
	p2 =	seq.s32 @!p0 s5, $0x0  }
0x1f: {  	s9 =	smul.u32 $0xF7A, s1;
	s8 =	simm.s32 @!p0 $0x1BF5;
	p2 =	por !p2, p0  }
0x20: {  	[sflag:s8] =	ssyncset.s32 @!p0 $0xFFFFF086;
	s6 =	sadd.s32 @!p0 s3, s7;
	s7 =	simm.s32 @!p0 $0x108  }
0x21: {  	s3 =	sadd.s32 s3, s9;
	s6 =	sadd.s32 @!p0 $0x88, s6;
	s7 =	simm.s32 @p2 $0x1082  }
0x22: {  	[simem:s7], [sflag:s8] =	dma.local @!p0 [hbm:s6], $0xF7A  }
0x23: {  	s9 =	sor.u32 $0xD0000000, s2;
	s6 =	simm.s32 $0x108;
	_ =	swait.ge @!p0 [sflag:s8], $0x0  }
0x24: {  	s3 =	sadd.s32 $0x88, s3;
	s6 =	simm.s32 @!p1 $0x1082;
	[sflag:s4] =	ssyncset.s32 $0xFFFFF086  }
0x25: {  	[simem:s6], [sflag:s4] =	dma.local [hbm:s3], $0xF7A  }
0x26: {  	[smem:$0x3F9D] =	sst s1;
	(tag) =	ssettag s2;
	_ =	strace s9  }
0x27: {  	s1 =	sld [smem:$0x3FAD]  }
0x28: {  	s2 =	sld [smem:$0x3FAE]  }
0x29: {  	s4 =	sld [smem:$0x3FB0]  }
0x2a: {  	p0 =	seq.s32 s5, $0x0;
	s5 =	sld [smem:$0x3FB1]  }
0x2b: {  	s6 =	sld [smem:$0x3FB2]  }
0x2c: {  	s7 =	sld [smem:$0x3FB3]  }
0x2d: {  	s3 =	simm.s32 $0x108;
	s8 =	sld [smem:$0x3FB4]  }
0x2e: {  	s3 =	simm.s32 @!p0 $0x1082;
	s9 =	sld [smem:$0x3FB5]  }
0x2f: {  	lr =	sadd.s32 s0, s3;
	s0 =	sld [smem:$0x3FAC]  }
0x30: {  	s3 =	sld [smem:$0x3FAF]  }
0x31: {  	[smem:$0x3FB8] =	sst s10  }
0x32: {  	s10 =	sld [smem:$0x3FB6];
	_ =	sdelay $0x3  }
0x33: {  	p0 =	seq.s32 s10, $0x1;
	s10 =	sld [smem:$0x3FB8];
	_ =	sdelay $0x3  }
0x34: {  	[smem:$0x3FB8] =	sst s10  }
0x35: {  	s10 =	sld [smem:$0x3FB7];
	_ =	sdelay $0x3  }
0x36: {  	p1 =	seq.s32 s10, $0x1;
	s10 =	sld [smem:$0x3FB8];
	_ =	sdelay $0x3  }
0x37: {  	[smem:$0x3FB8] =	sst s10  }
0x38: {  	s10 =	sld [smem:$0x3FB9]  }
0x39: {  	_ = 	snop;
	(pc) =	sbr.ind lr, $3  }
0x3a: {  	_ = 	snop  }
0x3b: {  	_ = 	snop  }
0x3c: {  	p2 =	seq.s32 s10, $0x1;
	s10 =	sld [smem:$0x3FB8]  }
0x3d: {  	_ =	shalt  }
0x3e: {  	_ =	shalt  }
0x3f: {  	_ =	shalt  }
0x40: {  	_ =	shalt  }
0x41: {  	_ =	shalt  }
0x42: {  	_ =	shalt  }
0x43: {  	_ =	shalt  }
0x44: {  	_ =	shalt  }
0x45: {  	_ =	shalt  }
0x46: {  	_ =	shalt  }
0x47: {  	_ =	shalt  }
0x48: {  	_ =	shalt  }
0x49: {  	_ =	shalt  }
0x4a: {  	_ =	shalt  }
0x4b: {  	_ =	shalt  }
0x4c: {  	_ =	shalt  }
0x4d: {  	_ =	shalt  }
0x4e: {  	_ =	shalt  }
0x4f: {  	_ =	shalt  }
0x50: {  	_ =	shalt  }
0x51: {  	_ =	shalt  }
0x52: {  	_ =	shalt  }
0x53: {  	_ =	shalt  }
0x54: {  	_ =	shalt  }
0x55: {  	_ =	shalt  }
0x56: {  	_ =	shalt  }
0x57: {  	_ =	shalt  }
0x58: {  	_ =	shalt  }
0x59: {  	_ =	shalt  }
0x5a: {  	_ =	shalt  }
0x5b: {  	_ =	shalt  }
0x5c: {  	_ =	shalt  }
0x5d: {  	_ =	shalt  }
0x5e: {  	_ =	shalt  }
0x5f: {  	_ =	shalt  }
0x60: {  	_ =	shalt  }
0x61: {  	_ =	shalt  }
0x62: {  	_ =	shalt  }
0x63: {  	_ =	shalt  }
0x64: {  	_ =	shalt  }
0x65: {  	_ =	shalt  }
0x66: {  	_ =	shalt  }
0x67: {  	_ =	shalt  }
0x68: {  	_ =	shalt  }
0x69: {  	_ =	shalt  }
0x6a: {  	_ =	shalt  }
0x6b: {  	_ =	shalt  }
0x6c: {  	_ =	shalt  }
0x6d: {  	_ =	shalt  }
0x6e: {  	_ =	shalt  }
0x6f: {  	_ =	shalt  }
0x70: {  	_ =	shalt  }
0x71: {  	_ =	shalt  }
0x72: {  	_ =	shalt  }
0x73: {  	_ =	shalt  }
0x74: {  	_ =	shalt  }
0x75: {  	_ =	shalt  }
0x76: {  	_ =	shalt  }
0x77: {  	_ =	shalt  }
0x78: {  	_ =	shalt  }
0x79: {  	_ =	shalt  }
0x7a: {  	_ =	shalt  }
0x7b: {  	_ =	shalt  }
0x7c: {  	_ =	shalt  }
0x7d: {  	_ =	shalt  }
0x7e: {  	_ =	shalt  }
0x7f: {  	_ =	shalt  }
0x80: {  	_ =	shalt  }
0x81: {  	_ =	shalt  }
0x82: {  	_ =	shalt  }
0x83: {  	_ =	shalt  }
0x84: {  	_ =	shalt  }
0x85: {  	_ =	shalt  }
0x86: {  	_ =	shalt  }
0x87: {  	_ =	shalt  }
.Lfunc_end0:
.L_simem_size_0:
called_computation_lowered:
.L_overlay_start_0:
0x88: {  	s2 =	sld [smem:$0x3FD9]  }
0x89: {  	s3 =	sld [smem:$0x3FFE];
	_ =	sdelay $0x1  }
0x8a: {  	s1 =	srdreg.scid  }
0x8b: {  	s0 =	sand.u32 $0x1, s1  }
0x8c: {  	s17 =	sshll.u32 s0, $0xA;
	s2 =	sadd.s32 s3, s2  }
0x8d: {  	s2 =	sadd.s32 s2, s17  }
0x8e: {  	[smem:$0x3FC4] =	sst s2  }
0x8f: {  	_ = 	snop  }
0x90: {  	s2 =	sld [smem:$0x3FC9]  }
0x91: {  	s18 =	sld [smem:$0x3FC8]  }
0x92: {  	s4 =	sld [smem:$0x3FD0];
	(tm) =	ssettm $0x1  }
0x93: {  	s5 =	sld [smem:$0x3FFB];
	_ =	sdelay $0x3  }
0x94: {  	_ =	strace s5  }
0x95: {  	s5 =	sld [smem:$0x3FFC];
	_ =	sdelay $0x3  }
0x96: {  	_ =	strace s5  }
0x97: {  	s5 =	sld [smem:$0x3FFD];
	_ =	sdelay $0x3  }
0x98: {  	_ =	strace s5  }
0x99: {  	_ =	strace $0x8FFFFFFF  }
0x9a: {  	s19 =	sld [smem:$0x3FDB];
	_ =	sdelay $0x1  }
0x9b: {  	s6 =	simm.s32 $_scs_section_size  }
0x9c: {  	s7 =	simm.s32 $_size__tile_overlayer_lowered;
	s8 =	simm.s32 $_tile_overlayer_lowered  }
0x9d: {  	s22 =	simm.s32 $0x1BFF;
	s21 =	sshll.u32 s8, $0x1;
	s5 =	sadd.s32 s6, s19  }
0x9e: {  	s9 =	simm.s32 $0x0;
	s20 =	sshll.u32 s7, $0x1;
	s7 =	sadd.s32 s21, s5  }
0x9f: {  	[timem:s9], [sflag:s22] =	dma.local [hbm:s7], s20  }
0xa0: {  	_ =	swait.ge [sflag:s22], s20  }
0xa1: {  	s6 =	ssub.s32 $0x0, s20;
	[sflag:s22] =	ssyncset.done $0x0  }
0xa2: {  	[sflag:s22] =	ssyncadd.s32 s6;
	_ =	sdelay $0x1  }
0xa3: {  	s23 =	simm.s32 $0x1B8B  }
0xa4: {  	_ =	swait.ge [sflag:s23], $0x1  }
0xa5: {  	[sflag:s23] =	ssyncset.done $0x0  }
0xa6: {  	s25 =	simm.s32 $0x1B8E;
	s24 =	sld [smem:$0x3FFE];
	[sflag:s23] =	ssyncadd.s32 $0xFFFFFFFF  }
0xa7: {  	s26 =	simm.s32 $execute0_lowered;
	[smem:$0x3FD2] =	sst s25  }
0xa8: {  	s7 =	sshll.u32 s26, $0x1;
	_ =	strace $0x80000046;
	[dreg:$0x1] =	wrdreg $0xFFFFFFFF  }
0xa9: {  	s28 =	simm.s32 $_size_execute0_lowered;
	s5 =	sadd.s32 s5, s7;
	[dreg:$0x0] =	wrdreg $0x0  }
0xaa: {  	s7 =	sshll.u32 s28, $0x1;
	[dreg:$0x2] =	wrdreg s5  }
0xab: {  	[dreg:$0x3] =	wrdreg s7  }
0xac: {  	[dreg:$0x4] =	wrdreg $0xC0  }
0xad: {  	_ =	task [dreg:s9], $0x5FFFF  }
0xae: {  	[dreg:$0x1] =	wrdreg $0xFFFFFFFF  }
0xaf: {  	[dreg:$0x0] =	wrdreg $0x60  }
0xb0: {  	[dreg:$0x2] =	wrdreg s2  }
0xb1: {  	[dreg:$0x3] =	wrdreg s18  }
0xb2: {  	[dreg:$0x4] =	wrdreg s24  }
0xb3: {  	[dreg:$0x5] =	wrdreg s4  }
0xb4: {  	[dreg:$0x6] =	wrdreg $0x9  }
0xb5: {  	_ =	task.clear_ibuf [dreg:s9], $0x7FFFF;
	_ =	strace $0x90000046  }
0xb6: {  	s29 =	simm.s32 $0x9;
	_ =	strace $0x80000048  }
0xb7: {  	_ =	swait.ge [sflag:s29], $0x1  }
0xb8: {  	[sflag:s29] =	ssyncadd.s32 $0xFFFFFFFF  }
0xb9: {  	_ =	strace $0x90000048  }
0xba: {  	_ =	sfence  }
0xbb: {  	s30 =	sld [smem:$0x0];
	_ =	sdelay $0x2  }
0xbc: {  	s31 =	sshll.u32 s1, $0xD;
	s1 =	sshrl.u32 s1, $0x2  }
0xbd: {  	s3 =	sand.u32 $0x4000, s31;
	s1 =	sadd.s32 s1, s30  }
0xbe: {  	s0 =	sor.u32 s3, s0;
	s1 =	sshll.u32 s1, $0x11  }
0xbf: {  	s0 =	sor.u32 s1, s0  }
0xc0: {  	s0 =	sadd.s32 $0x8F2B, s0  }
0xc1: {  	[sflag:s0] =	ssyncadd.remote.s32 $0x1  }
0xc2: {  	_ =	sfence.sel $0xFFFF  }
0xc3: {  	[dreg:$0x0] =	wrdreg $0xFFFFFFFF;
	(pc) =	sbr.abs _section_cstart, $3  }
0xc4: {  	[dreg:$0x1] =	wrdreg $0xFFFFFFFF  }
0xc5: {  	_ =	task.clear_ibuf [dreg:s9], $0x2FFFF;
	_ =	strace $0x9FFFFFFF  }
0xc6: {  	(tm) =	ssettm $0x7FFFFFFF  }
0xc7: {  	_ =	shalt  }
tec
execute0_lowered:
.L_overlay_start_1:
0x0: {  	(tag) =	ssettag $0x1  }
0x1: {  	s13 =	rddreg [dreg:$0x0]  }
0x2: {  	s14 =	rddreg [dreg:$0x1]  }
0x3: {  	s10 =	rddreg [dreg:$0x2]  }
0x4: {  	s15 =	rddreg [dreg:$0x3]  }
0x5: {  	s0 =	rddreg [dreg:$0x4];
	s1 =	simm.s32 $0x0;
	s2 =	srdreg.scid  }
0x6: {  	s24 =	simm.s32 $0x2;
	s25 =	simm.s32 $0x0;
	[smem:$0x7FF] =	sst s1  }
0x7: {  	s4 =	sand.u32 $0x1, s2;
	s3 =	sadd.s32 $0x400, s10;
	s2 =	stileid.u32  }
0x8: {  	s20 =	sadd.s32 $0x1000, s15;
	s21 =	sadd.s32 $0x2000, s15;
	s22 =	sadd.s32 $0x3000, s15  }
0x9: {  	_ =	strace $0x80000047;
	s5 =	ssub.s32 $0x2, s4;
	s7 =	sshll.u32 s2, $0x9  }
0xa: {  	s8 =	sshrl.u32 s2, $0x1;
	s4 =	sshll.u32 s4, $0x8;
	s6 =	sshrl.u32 s5, $0x1  }
0xb: {  	s7 =	sand.u32 $0x200, s7;
	s16 =	smul.u32 $0xC3800, s8;
	s17 =	sshll.u32 s8, $0xD  }
0xc: {  	s18 =	sshll.u32 s8, $0x11;
	s8 =	sadd.s32 $0x800, s10;
	s19 =	ssub.s32 s5, s6  }
0xd: {  	s11 =	sor.u32 s4, s7;
	s6 =	sadd.s32 $0x600, s10;
	s10 =	sadd.s32 $0xA00, s10  }
0xe: {  	s4 =	sor.u32 s16, s11;
	s29 =	sor.u32 s17, s11;
	s30 =	sor.u32 s18, s11  }
0xf: {  	s23 =	sor.u32 $0x80, s11;
	s19 =	smax.u32 s19, $0x1;
	s4 =	sshrl.u32 s4, $0x3  }
0x10: {  	s5 =	sshrl.u32 s29, $0x3;
	s12 =	sshrl.u32 s30, $0x3;
	s16 =	sor.u32 s16, s23  }
0x11: {  	s17 =	sor.u32 s17, s23;
	s18 =	sor.u32 s18, s23;
	s23 =	simm.s32 $0x1  }
0x12: {  	s4 =	sadd.s32 s13, s4;
	s5 =	sadd.s32 s14, s5;
	s7 =	sadd.s32 s15, s12  }
0x13: {  	s9 =	sadd.s32 s12, s20;
	s11 =	sadd.s32 s12, s21;
	s12 =	sadd.s32 s12, s22  }
0x14: {  	s16 =	sshrl.u32 s16, $0x3;
	s31 =	sshrl.u32 s17, $0x3;
	s18 =	sshrl.u32 s18, $0x3  }
0x15: {  	s13 =	sadd.s32 s13, s16;
	s14 =	sadd.s32 s14, s31;
	s15 =	sadd.s32 s15, s18  }
0x16: {  	s16 =	sadd.s32 s18, s20;
	s17 =	sadd.s32 s18, s21;
	s18 =	sadd.s32 s18, s22  }
0x17: {  	s20 =	simm.s32 $0x80;
	s21 =	simm.s32 $0x400;
	s22 =	simm.s32 $0x18700  }
.LBB2_1:
0x18: {  	s26 =	simm.s32 $0x18B00  }
0x19: {  	s28 =	simm.s32 $0x10;
	s30 =	sadd.s32 $0x0, s3;
	s29 =	simm.s32 $0x18C00  }
.LBB2_2:
0x1a: {  	[tilespmem:s26], [sflag:$0x1] =	stream.linear.gather [hbm4b:s30+s1], $0x80, $0x38;
	[tilespmem:$0x1EB00] =	vst v63  }
0x1b: {  	s30 =	smov.u32 s28;
	s26 =	smov.u32 s29;
	p0 =	sne.s32 s28, $0x1F0  }
.Ltmp0:
0x1c: {  	s28 =	sadd.s32 $0x10, s28;
	(pc) =	sbr.rel @p0 .LBB2_2-.Ltmp0, $2  }
0x1d: {  	_ =	sdelay $0x2  }
0x1e: {  	s29 =	sadd.s32 $0x100, s29;
	s30 =	sadd.s32 s30, s3  }
0x1f: {  	[tilespmem:s26], [sflag:$0x1] =	stream.linear.gather [hbm4b:s30+s1], $0x80, $0x38;
	[tilespmem:$0x1EB00] =	vst v63  }
0x20: {  	s26 =	simm.s32 $0x0  }
0x21: {  	[tilespmem:s26], [sflag:$0x1] =	stream.strided.gather [hbm4b:s4+s20], $0x18700, s21, s20, $0x38;
	[tilespmem:$0x1EB00] =	vst v63  }
0x22: {  	_ = 	snop  }
0x23: {  	[tilespmem:s22], [sflag:$0x1] =	stream.strided.gather [hbm4b:s5+s20], $0x400, s21, s20, $0x38;
	[tilespmem:$0x1EB00] =	vst v63  }
0x24: {  	_ =	swait.ge [sflag:s23], $0x18700  }
0x25: {  	[sflag:s23] =	ssyncset.done $0x0  }
0x26: {  	[sflag:s23] =	ssyncadd.s32 $0xFFFE7900  }
0x27: {  	_ =	swait.ge [sflag:s23], $0x400  }
0x28: {  	[sflag:s23] =	ssyncset.done $0x0  }
0x29: {  	[sflag:s23] =	ssyncadd.s32 $0xFFFFFC00  }
0x2a: {  	_ =	swait.ge [sflag:s23], $0x1000  }
0x2b: {  	[sflag:s23] =	ssyncset.done $0x0  }
0x2c: {  	s28 =	simm.s32 $0x18B80;
	[sflag:s23] =	ssyncadd.s32 $0xFFFFF000  }
.LBB2_4:
0x2d: {  	p0 =	sne.s32 s26, $0x1F0  }
.Ltmp1:
0x2e: {  	_ = 	snop;
	(pc) =	sbr.rel @p0 .LBB2_4-.Ltmp1, $4  }
0x2f: {  	_ = 	snop  }
0x30: {  	s29 =	sadd.s32 s26, s6  }
0x31: {  	[tilespmem:s28], [sflag:$0x1] =	stream.linear.gather [hbm4b:s29+s1], $0x80, $0x38;
	[tilespmem:$0x1EB00] =	vst v63  }
0x32: {  	s26 =	sadd.s32 $0x10, s26;
	s28 =	sadd.s32 $0x100, s28  }
0x33: {  	s26 =	simm.s32 $0x18B40  }
0x34: {  	v0 =	vld [tilespmem:s26+$0x30];
	_ =	sdelay $0x1  }
0x35: {  	v1 =	vld [tilespmem:s26+$0xFFFFFFD0];
	_ =	sdelay $0x1  }
0x36: {  	v2 =	vld [tilespmem:s26+$0xFFFFFFE0]  }
0x37: {  	v3 =	vld [tilespmem:s26+$0xFFFFFFF0];
	v4 =	vand.u32 $0x1FFFF, v0  }
0x38: {  	v5 =	vld [tilespmem:s26+$0x0];
	v0 =	vshrl.u32 v0, $0x11  }
0x39: {  	v7 =	vld [tilespmem:s26+$0xFFFFFFC0];
	v6 =	vand.u32 $0x1FFFF, v1  }
0x3a: {  	v8 =	vld [tilespmem:s26+$0x10];
	v1 =	vshrl.u32 v1, $0x11  }
0x3b: {  	v9 =	vld [tilespmem:s26+$0x20];
	v10 =	vand.u32 $0x1FFFF, v2  }
0x3c: {  	v2 =	vshrl.u32 v2, $0x11;
	v4 =	vld.idx.msk [tilespmem:v4+s1+$0x0], $0xffff  }
0x3d: {  	v11 =	vand.u32 $0x1FFFF, v3;
	v0 =	vld.idx.msk [tilespmem:v0+s22+$0x0], $0xffff  }
0x3e: {  	v12 =	vand.u32 $0x1FFFF, v7;
	v13 =	vld.idx.msk [tilespmem:v6+s1+$0x0], $0xffff  }
0x3f: {  	v14 =	vand.u32 $0x1FFFF, v5;
	v5 =	vshrl.u32 v5, $0x11;
	v1 =	vld.idx.msk [tilespmem:v1+s22+$0x0], $0xffff  }
0x40: {  	v6 =	vshrl.u32 v7, $0x11;
	v10 =	vld.idx.msk [tilespmem:v10+s1+$0x0], $0xffff  }
0x41: {  	v7 =	vshrl.u32 v3, $0x11;
	v15 =	vld.idx.msk [tilespmem:v2+s22+$0x0], $0xffff  }
0x42: {  	v2 =	vld.idx.msk [tilespmem:v11+s1+$0x0], $0xffff  }
0x43: {  	v11 =	vand.u32 $0x1FFFF, v8;
	v3 =	vld.idx.msk [tilespmem:v12+s1+$0x0], $0xffff  }
0x44: {  	v63 =	vshrl.u32 v8, $0x11;
	v8 =	vld.idx.msk [tilespmem:v5+s22+$0x0], $0xffff  }
0x45: {  	v6 =	vld.idx.msk [tilespmem:v6+s22+$0x0], $0xffff;
	v0 =	vadd.f32 v0, v4  }
0x46: {  	s26 =	simm.s32 $0x1AB40;
	v7 =	vld.idx.msk [tilespmem:v7+s22+$0x0], $0xffff;
	v1 =	vadd.f32 v1, v13  }
0x47: {  	v4 =	vld.idx.msk [tilespmem:v14+s1+$0x0], $0xffff;
	v10 =	vadd.f32 v15, v10;
	[tilespmem:s26+$0x30] =	vst v0  }
0x48: {  	v5 =	vld.idx.msk [tilespmem:v11+s1+$0x0], $0xffff;
	[tilespmem:s26+$0xFFFFFFD0] =	vst v1  }
0x49: {  	s28 =	simm.s32 $0x0;
	s29 =	simm.s32 $0x18C40;
	v1 =	vand.u32 $0x1FFFF, v9;
	v0 =	vshrl.u32 v9, $0x11;
	[tilespmem:s26+$0xFFFFFFE0] =	vst v10;
	v9 =	vld.idx.msk [tilespmem:v63+s22+$0x0], $0xffff  }
.LBB2_6:
0x4a: {  	v10 =	vld [tilespmem:s29+$0x30];
	v3 =	vadd.f32 v6, v3  }
0x4b: {  	s28 =	sadd.s32 $0x8, s28;
	v2 =	vadd.f32 v7, v2;
	v6 =	vld [tilespmem:s29+$0xFFFFFFD0]  }
0x4c: {  	p0 =	slt.u32 s28, $0xF8;
	v7 =	vld [tilespmem:s29+$0xFFFFFFE0];
	[tilespmem:s26+$0xFFFFFFC0] =	vst v3  }
0x4d: {  	v3 =	vld [tilespmem:s29+$0xFFFFFFF0];
	[tilespmem:s26+$0xFFFFFFF0] =	vst v2;
	v2 =	vadd.f32 v8, v4  }
0x4e: {  	v4 =	vld [tilespmem:s29+$0x0]  }
0x4f: {  	v8 =	vld [tilespmem:s29+$0x10];
	v11 =	vand.u32 $0x1FFFF, v10;
	[tilespmem:s26+$0x0] =	vst v2;
	v2 =	vadd.f32 v9, v5  }
0x50: {  	v10 =	vshrl.u32 v10, $0x11;
	v5 =	vand.u32 $0x1FFFF, v6;
	v6 =	vshrl.u32 v6, $0x11;
	v9 =	vld [tilespmem:s29+$0x20]  }
0x51: {  	v12 =	vld [tilespmem:s29+$0xFFFFFFC0];
	v13 =	vand.u32 $0x1FFFF, v7;
	v7 =	vshrl.u32 v7, $0x11;
	[tilespmem:s26+$0x10] =	vst v2  }
0x52: {  	v2 =	vand.u32 $0x1FFFF, v3;
	v14 =	vshrl.u32 v3, $0x11;
	v3 =	vld.idx.msk [tilespmem:v1+s1+$0x0], $0xffff  }
0x53: {  	v15 =	vand.u32 $0x1FFFF, v4;
	v16 =	vshrl.u32 v4, $0x11;
	v4 =	vld.idx.msk [tilespmem:v0+s22+$0x0], $0xffff  }
0x54: {  	v17 =	vand.u32 $0x1FFFF, v8;
	v18 =	vshrl.u32 v8, $0x11;
	v8 =	vld.idx.msk [tilespmem:v11+s1+$0x0], $0xffff  }
0x55: {  	v1 =	vand.u32 $0x1FFFF, v9;
	v0 =	vshrl.u32 v9, $0x11;
	v9 =	vld.idx.msk [tilespmem:v10+s22+$0x0], $0xffff  }
0x56: {  	v10 =	vand.u32 $0x1FFFF, v12;
	v11 =	vshrl.u32 v12, $0x11;
	v5 =	vld.idx.msk [tilespmem:v5+s1+$0x0], $0xffff  }
0x57: {  	v12 =	vld.idx.msk [tilespmem:v6+s22+$0x0], $0xffff  }
0x58: {  	v13 =	vld.idx.msk [tilespmem:v13+s1+$0x0], $0xffff  }
0x59: {  	v4 =	vadd.f32 v4, v3;
	v19 =	vld.idx.msk [tilespmem:v7+s22+$0x0], $0xffff  }
0x5a: {  	v2 =	vld.idx.msk [tilespmem:v2+s1+$0x0], $0xffff  }
0x5b: {  	v8 =	vadd.f32 v9, v8;
	v3 =	vld.idx.msk [tilespmem:v10+s1+$0x0], $0xffff;
	[tilespmem:s26+$0x20] =	vst v4  }
0x5c: {  	s26 =	sadd.s32 $0x200, s26;
	v6 =	vld.idx.msk [tilespmem:v11+s22+$0x0], $0xffff  }
.Ltmp2:
0x5d: {  	v5 =	vadd.f32 v12, v5;
	v7 =	vld.idx.msk [tilespmem:v14+s22+$0x0], $0xffff;
	[tilespmem:s26+$0x30] =	vst v8;
	(pc) =	sbr.rel @p0 .LBB2_6-.Ltmp2, $4  }
0x5e: {  	v4 =	vld.idx.msk [tilespmem:v15+s1+$0x0], $0xffff  }
0x5f: {  	v9 =	vadd.f32 v19, v13;
	[tilespmem:s26+$0xFFFFFFD0] =	vst v5;
	v8 =	vld.idx.msk [tilespmem:v16+s22+$0x0], $0xffff  }
0x60: {  	v5 =	vld.idx.msk [tilespmem:v17+s1+$0x0], $0xffff  }
0x61: {  	s29 =	sadd.s32 $0x100, s29;
	[tilespmem:s26+$0xFFFFFFE0] =	vst v9;
	v9 =	vld.idx.msk [tilespmem:v18+s22+$0x0], $0xffff  }
0x62: {  	_ =	sdelay $0x3  }
0x63: {  	v1 =	vld.idx.msk [tilespmem:v1+s1+$0x0], $0xffff  }
0x64: {  	v0 =	vld.idx.msk [tilespmem:v0+s22+$0x0], $0xffff  }
0x65: {  	v3 =	vadd.f32 v6, v3  }
0x66: {  	v2 =	vadd.f32 v7, v2  }
0x67: {  	[tilespmem:s26+$0xFFFFFFC0] =	vst v3;
	v62 =	vadd.f32 v8, v4  }
0x68: {  	[tilespmem:s26+$0xFFFFFFF0] =	vst v2;
	v63 =	vadd.f32 v9, v5  }
0x69: {  	[tilespmem:s26+$0x0] =	vst v62;
	v0 =	vadd.f32 v0, v1  }
0x6a: {  	s28 =	simm.s32 $0x1AB00;
	[tilespmem:s26+$0x10] =	vst v63  }
0x6b: {  	s30 =	sadd.s32 $0x0, s7;
	s29 =	simm.s32 $0x1AD00;
	[tilespmem:s26+$0x20] =	vst v0;
	s26 =	simm.s32 $0x80  }
.LBB2_8:
0x6c: {  	[hbm4b:s30+s1] =	stream.linear.scatter [tilespmem:s28], [sflag:$0x2], $0x80, $0x38;
	[tilespmem:$0x1EB00] =	vst v63  }
0x6d: {  	s30 =	smov.u32 s26;
	s28 =	smov.u32 s29;
	p0 =	sne.s32 s26, $0xF80  }
.Ltmp3:
0x6e: {  	s26 =	sadd.s32 $0x80, s26;
	(pc) =	sbr.rel @p0 .LBB2_8-.Ltmp3, $2  }
0x6f: {  	_ =	sdelay $0x2  }
0x70: {  	s29 =	sadd.s32 $0x200, s29;
	s30 =	sadd.s32 s30, s7  }
0x71: {  	[hbm4b:s30+s1] =	stream.linear.scatter [tilespmem:s28], [sflag:$0x2], $0x80, $0x38;
	[tilespmem:$0x1EB00] =	vst v63  }
0x72: {  	_ =	swait.ge [sflag:s23], $0x1000  }
0x73: {  	[sflag:s23] =	ssyncset.done $0x0  }
0x74: {  	s26 =	simm.s32 $0x0;
	s28 =	simm.s32 $0x18B00;
	[sflag:s23] =	ssyncadd.s32 $0xFFFFF000  }
.LBB2_10:
0x75: {  	p0 =	sne.s32 s26, $0x1F0  }
.Ltmp4:
0x76: {  	_ = 	snop;
	(pc) =	sbr.rel @p0 .LBB2_10-.Ltmp4, $4  }
0x77: {  	_ = 	snop  }
0x78: {  	s29 =	sadd.s32 s26, s8  }
0x79: {  	[tilespmem:s28], [sflag:$0x1] =	stream.linear.gather [hbm4b:s29+s1], $0x80, $0x38;
	[tilespmem:$0x1EB00] =	vst v63  }
0x7a: {  	s26 =	sadd.s32 $0x10, s26;
	s28 =	sadd.s32 $0x100, s28  }
0x7b: {  	s26 =	simm.s32 $0x18BF0  }
0x7c: {  	v0 =	vld [tilespmem:s26+$0x0];
	_ =	sdelay $0x1  }
0x7d: {  	v1 =	vld [tilespmem:s26+$0xFFFFFFA0];
	_ =	sdelay $0x1  }
0x7e: {  	v2 =	vld [tilespmem:s26+$0xFFFFFFB0]  }
0x7f: {  	v3 =	vld [tilespmem:s26+$0xFFFFFFC0];
	v4 =	vand.u32 $0x1FFFF, v0  }
0x80: {  	v5 =	vld [tilespmem:s26+$0xFFFFFFD0];
	v0 =	vshrl.u32 v0, $0x11  }
0x81: {  	v7 =	vld [tilespmem:s26+$0xFFFFFF90];
	v6 =	vand.u32 $0x1FFFF, v1  }
0x82: {  	v8 =	vld [tilespmem:s26+$0xFFFFFFE0];
	v1 =	vshrl.u32 v1, $0x11  }
0x83: {  	v9 =	vld [tilespmem:s26+$0xFFFFFFF0];
	v10 =	vand.u32 $0x1FFFF, v2  }
0x84: {  	v2 =	vshrl.u32 v2, $0x11;
	v4 =	vld.idx.msk [tilespmem:v4+s1+$0x0], $0xffff  }
0x85: {  	v11 =	vand.u32 $0x1FFFF, v3;
	v0 =	vld.idx.msk [tilespmem:v0+s22+$0x0], $0xffff  }
0x86: {  	v12 =	vand.u32 $0x1FFFF, v7;
	v13 =	vld.idx.msk [tilespmem:v6+s1+$0x0], $0xffff  }
0x87: {  	v14 =	vand.u32 $0x1FFFF, v5;
	v5 =	vshrl.u32 v5, $0x11;
	v1 =	vld.idx.msk [tilespmem:v1+s22+$0x0], $0xffff  }
0x88: {  	v6 =	vshrl.u32 v7, $0x11;
	v10 =	vld.idx.msk [tilespmem:v10+s1+$0x0], $0xffff  }
0x89: {  	v7 =	vshrl.u32 v3, $0x11;
	v15 =	vld.idx.msk [tilespmem:v2+s22+$0x0], $0xffff  }
0x8a: {  	v2 =	vld.idx.msk [tilespmem:v11+s1+$0x0], $0xffff  }
0x8b: {  	v11 =	vand.u32 $0x1FFFF, v8;
	v3 =	vld.idx.msk [tilespmem:v12+s1+$0x0], $0xffff  }
0x8c: {  	v63 =	vshrl.u32 v8, $0x11;
	v8 =	vld.idx.msk [tilespmem:v5+s22+$0x0], $0xffff  }
0x8d: {  	v6 =	vld.idx.msk [tilespmem:v6+s22+$0x0], $0xffff;
	v0 =	vadd.f32 v0, v4  }
0x8e: {  	s26 =	simm.s32 $0x1ABF0;
	v7 =	vld.idx.msk [tilespmem:v7+s22+$0x0], $0xffff;
	v1 =	vadd.f32 v1, v13  }
0x8f: {  	v4 =	vld.idx.msk [tilespmem:v14+s1+$0x0], $0xffff;
	v10 =	vadd.f32 v15, v10;
	[tilespmem:s26+$0x0] =	vst v0  }
0x90: {  	v5 =	vld.idx.msk [tilespmem:v11+s1+$0x0], $0xffff;
	[tilespmem:s26+$0xFFFFFFA0] =	vst v1  }
0x91: {  	s28 =	simm.s32 $0x0;
	s29 =	simm.s32 $0x18CF0;
	v1 =	vand.u32 $0x1FFFF, v9;
	v0 =	vshrl.u32 v9, $0x11;
	[tilespmem:s26+$0xFFFFFFB0] =	vst v10;
	v9 =	vld.idx.msk [tilespmem:v63+s22+$0x0], $0xffff  }
.LBB2_12:
0x92: {  	v10 =	vld [tilespmem:s29+$0x0];
	v3 =	vadd.f32 v6, v3  }
0x93: {  	s28 =	sadd.s32 $0x8, s28;
	v2 =	vadd.f32 v7, v2;
	v6 =	vld [tilespmem:s29+$0xFFFFFFA0]  }
0x94: {  	p0 =	slt.u32 s28, $0xF8;
	v7 =	vld [tilespmem:s29+$0xFFFFFFB0];
	[tilespmem:s26+$0xFFFFFF90] =	vst v3  }
0x95: {  	v3 =	vld [tilespmem:s29+$0xFFFFFFC0];
	[tilespmem:s26+$0xFFFFFFC0] =	vst v2;
	v2 =	vadd.f32 v8, v4  }
0x96: {  	v4 =	vld [tilespmem:s29+$0xFFFFFFD0]  }
0x97: {  	v8 =	vld [tilespmem:s29+$0xFFFFFFE0];
	v11 =	vand.u32 $0x1FFFF, v10;
	[tilespmem:s26+$0xFFFFFFD0] =	vst v2;
	v2 =	vadd.f32 v9, v5  }
0x98: {  	v10 =	vshrl.u32 v10, $0x11;
	v5 =	vand.u32 $0x1FFFF, v6;
	v6 =	vshrl.u32 v6, $0x11;
	v9 =	vld [tilespmem:s29+$0xFFFFFFF0]  }
0x99: {  	v12 =	vld [tilespmem:s29+$0xFFFFFF90];
	v13 =	vand.u32 $0x1FFFF, v7;
	v7 =	vshrl.u32 v7, $0x11;
	[tilespmem:s26+$0xFFFFFFE0] =	vst v2  }
0x9a: {  	v2 =	vand.u32 $0x1FFFF, v3;
	v14 =	vshrl.u32 v3, $0x11;
	v3 =	vld.idx.msk [tilespmem:v1+s1+$0x0], $0xffff  }
0x9b: {  	v15 =	vand.u32 $0x1FFFF, v4;
	v16 =	vshrl.u32 v4, $0x11;
	v4 =	vld.idx.msk [tilespmem:v0+s22+$0x0], $0xffff  }
0x9c: {  	v17 =	vand.u32 $0x1FFFF, v8;
	v18 =	vshrl.u32 v8, $0x11;
	v8 =	vld.idx.msk [tilespmem:v11+s1+$0x0], $0xffff  }
0x9d: {  	v1 =	vand.u32 $0x1FFFF, v9;
	v0 =	vshrl.u32 v9, $0x11;
	v9 =	vld.idx.msk [tilespmem:v10+s22+$0x0], $0xffff  }
0x9e: {  	v10 =	vand.u32 $0x1FFFF, v12;
	v11 =	vshrl.u32 v12, $0x11;
	v5 =	vld.idx.msk [tilespmem:v5+s1+$0x0], $0xffff  }
0x9f: {  	v12 =	vld.idx.msk [tilespmem:v6+s22+$0x0], $0xffff  }
0xa0: {  	v13 =	vld.idx.msk [tilespmem:v13+s1+$0x0], $0xffff  }
0xa1: {  	v4 =	vadd.f32 v4, v3;
	v19 =	vld.idx.msk [tilespmem:v7+s22+$0x0], $0xffff  }
0xa2: {  	v2 =	vld.idx.msk [tilespmem:v2+s1+$0x0], $0xffff  }
0xa3: {  	v8 =	vadd.f32 v9, v8;
	v3 =	vld.idx.msk [tilespmem:v10+s1+$0x0], $0xffff;
	[tilespmem:s26+$0xFFFFFFF0] =	vst v4  }
0xa4: {  	s26 =	sadd.s32 $0x200, s26;
	v6 =	vld.idx.msk [tilespmem:v11+s22+$0x0], $0xffff  }
.Ltmp5:
0xa5: {  	v5 =	vadd.f32 v12, v5;
	v7 =	vld.idx.msk [tilespmem:v14+s22+$0x0], $0xffff;
	[tilespmem:s26+$0x0] =	vst v8;
	(pc) =	sbr.rel @p0 .LBB2_12-.Ltmp5, $4  }
0xa6: {  	v4 =	vld.idx.msk [tilespmem:v15+s1+$0x0], $0xffff  }
0xa7: {  	v9 =	vadd.f32 v19, v13;
	[tilespmem:s26+$0xFFFFFFA0] =	vst v5;
	v8 =	vld.idx.msk [tilespmem:v16+s22+$0x0], $0xffff  }
0xa8: {  	v5 =	vld.idx.msk [tilespmem:v17+s1+$0x0], $0xffff  }
0xa9: {  	s29 =	sadd.s32 $0x100, s29;
	[tilespmem:s26+$0xFFFFFFB0] =	vst v9;
	v9 =	vld.idx.msk [tilespmem:v18+s22+$0x0], $0xffff  }
0xaa: {  	_ =	sdelay $0x3  }
0xab: {  	v1 =	vld.idx.msk [tilespmem:v1+s1+$0x0], $0xffff  }
0xac: {  	v0 =	vld.idx.msk [tilespmem:v0+s22+$0x0], $0xffff  }
0xad: {  	v3 =	vadd.f32 v6, v3  }
0xae: {  	v2 =	vadd.f32 v7, v2  }
0xaf: {  	[tilespmem:s26+$0xFFFFFF90] =	vst v3;
	v62 =	vadd.f32 v8, v4  }
0xb0: {  	[tilespmem:s26+$0xFFFFFFC0] =	vst v2;
	v63 =	vadd.f32 v9, v5  }
0xb1: {  	[tilespmem:s26+$0xFFFFFFD0] =	vst v62;
	v0 =	vadd.f32 v0, v1  }
0xb2: {  	s28 =	simm.s32 $0x1AB80;
	[tilespmem:s26+$0xFFFFFFE0] =	vst v63  }
0xb3: {  	s30 =	sadd.s32 $0x0, s9;
	s29 =	simm.s32 $0x1AD80;
	[tilespmem:s26+$0xFFFFFFF0] =	vst v0;
	s26 =	simm.s32 $0x80  }
.LBB2_14:
0xb4: {  	[hbm4b:s30+s1] =	stream.linear.scatter [tilespmem:s28], [sflag:$0x2], $0x80, $0x38;
	[tilespmem:$0x1EB00] =	vst v63  }
0xb5: {  	s30 =	smov.u32 s26;
	s28 =	smov.u32 s29;
	p0 =	sne.s32 s26, $0xF80  }
.Ltmp6:
0xb6: {  	s26 =	sadd.s32 $0x80, s26;
	(pc) =	sbr.rel @p0 .LBB2_14-.Ltmp6, $2  }
0xb7: {  	_ =	sdelay $0x2  }
0xb8: {  	s29 =	sadd.s32 $0x200, s29;
	s30 =	sadd.s32 s30, s9  }
0xb9: {  	[hbm4b:s30+s1] =	stream.linear.scatter [tilespmem:s28], [sflag:$0x2], $0x80, $0x38;
	[tilespmem:$0x1EB00] =	vst v63  }
0xba: {  	_ =	swait.ge [sflag:s23], $0x1000  }
0xbb: {  	[sflag:s23] =	ssyncset.done $0x0  }
0xbc: {  	s26 =	simm.s32 $0x0;
	s28 =	simm.s32 $0x18B80;
	[sflag:s23] =	ssyncadd.s32 $0xFFFFF000  }
.LBB2_16:
0xbd: {  	p0 =	sne.s32 s26, $0x1F0  }
.Ltmp7:
0xbe: {  	_ = 	snop;
	(pc) =	sbr.rel @p0 .LBB2_16-.Ltmp7, $4  }
0xbf: {  	_ = 	snop  }
0xc0: {  	s29 =	sadd.s32 s26, s10  }
0xc1: {  	[tilespmem:s28], [sflag:$0x1] =	stream.linear.gather [hbm4b:s29+s1], $0x80, $0x38;
	[tilespmem:$0x1EB00] =	vst v63  }
0xc2: {  	s26 =	sadd.s32 $0x10, s26;
	s28 =	sadd.s32 $0x100, s28  }
0xc3: {  	s26 =	simm.s32 $0x18B40  }
0xc4: {  	v0 =	vld [tilespmem:s26+$0x30];
	_ =	sdelay $0x1  }
0xc5: {  	v1 =	vld [tilespmem:s26+$0xFFFFFFD0];
	_ =	sdelay $0x1  }
0xc6: {  	v2 =	vld [tilespmem:s26+$0xFFFFFFE0]  }
0xc7: {  	v3 =	vld [tilespmem:s26+$0xFFFFFFF0];
	v4 =	vand.u32 $0x1FFFF, v0  }
0xc8: {  	v5 =	vld [tilespmem:s26+$0x0];
	v0 =	vshrl.u32 v0, $0x11  }
0xc9: {  	v7 =	vld [tilespmem:s26+$0xFFFFFFC0];
	v6 =	vand.u32 $0x1FFFF, v1  }
0xca: {  	v8 =	vld [tilespmem:s26+$0x10];
	v1 =	vshrl.u32 v1, $0x11  }
0xcb: {  	v9 =	vld [tilespmem:s26+$0x20];
	v10 =	vand.u32 $0x1FFFF, v2  }
0xcc: {  	v2 =	vshrl.u32 v2, $0x11;
	v4 =	vld.idx.msk [tilespmem:v4+s1+$0x0], $0xffff  }
0xcd: {  	v11 =	vand.u32 $0x1FFFF, v3;
	v0 =	vld.idx.msk [tilespmem:v0+s22+$0x0], $0xffff  }
0xce: {  	v12 =	vand.u32 $0x1FFFF, v7;
	v13 =	vld.idx.msk [tilespmem:v6+s1+$0x0], $0xffff  }
0xcf: {  	v14 =	vand.u32 $0x1FFFF, v5;
	v5 =	vshrl.u32 v5, $0x11;
	v1 =	vld.idx.msk [tilespmem:v1+s22+$0x0], $0xffff  }
0xd0: {  	v6 =	vshrl.u32 v7, $0x11;
	v10 =	vld.idx.msk [tilespmem:v10+s1+$0x0], $0xffff  }
0xd1: {  	v7 =	vshrl.u32 v3, $0x11;
	v15 =	vld.idx.msk [tilespmem:v2+s22+$0x0], $0xffff  }
0xd2: {  	v2 =	vld.idx.msk [tilespmem:v11+s1+$0x0], $0xffff  }
0xd3: {  	v11 =	vand.u32 $0x1FFFF, v8;
	v3 =	vld.idx.msk [tilespmem:v12+s1+$0x0], $0xffff  }
0xd4: {  	v63 =	vshrl.u32 v8, $0x11;
	v8 =	vld.idx.msk [tilespmem:v5+s22+$0x0], $0xffff  }
0xd5: {  	v6 =	vld.idx.msk [tilespmem:v6+s22+$0x0], $0xffff;
	v0 =	vadd.f32 v0, v4  }
0xd6: {  	s26 =	simm.s32 $0x1AC70;
	v7 =	vld.idx.msk [tilespmem:v7+s22+$0x0], $0xffff;
	v1 =	vadd.f32 v1, v13  }
0xd7: {  	v4 =	vld.idx.msk [tilespmem:v14+s1+$0x0], $0xffff;
	v10 =	vadd.f32 v15, v10;
	[tilespmem:s26+$0x0] =	vst v0  }
0xd8: {  	v5 =	vld.idx.msk [tilespmem:v11+s1+$0x0], $0xffff;
	[tilespmem:s26+$0xFFFFFFA0] =	vst v1  }
0xd9: {  	s28 =	simm.s32 $0x0;
	s29 =	simm.s32 $0x18C40;
	v1 =	vand.u32 $0x1FFFF, v9;
	v0 =	vshrl.u32 v9, $0x11;
	[tilespmem:s26+$0xFFFFFFB0] =	vst v10;
	v9 =	vld.idx.msk [tilespmem:v63+s22+$0x0], $0xffff  }
.LBB2_18:
0xda: {  	v10 =	vld [tilespmem:s29+$0x30];
	v3 =	vadd.f32 v6, v3  }
0xdb: {  	s28 =	sadd.s32 $0x8, s28;
	v2 =	vadd.f32 v7, v2;
	v6 =	vld [tilespmem:s29+$0xFFFFFFD0]  }
0xdc: {  	p0 =	slt.u32 s28, $0xF8;
	v7 =	vld [tilespmem:s29+$0xFFFFFFE0];
	[tilespmem:s26+$0xFFFFFF90] =	vst v3  }
0xdd: {  	v3 =	vld [tilespmem:s29+$0xFFFFFFF0];
	[tilespmem:s26+$0xFFFFFFC0] =	vst v2;
	v2 =	vadd.f32 v8, v4  }
0xde: {  	v4 =	vld [tilespmem:s29+$0x0]  }
0xdf: {  	v8 =	vld [tilespmem:s29+$0x10];
	v11 =	vand.u32 $0x1FFFF, v10;
	[tilespmem:s26+$0xFFFFFFD0] =	vst v2;
	v2 =	vadd.f32 v9, v5  }
0xe0: {  	v10 =	vshrl.u32 v10, $0x11;
	v5 =	vand.u32 $0x1FFFF, v6;
	v6 =	vshrl.u32 v6, $0x11;
	v9 =	vld [tilespmem:s29+$0x20]  }
0xe1: {  	v12 =	vld [tilespmem:s29+$0xFFFFFFC0];
	v13 =	vand.u32 $0x1FFFF, v7;
	v7 =	vshrl.u32 v7, $0x11;
	[tilespmem:s26+$0xFFFFFFE0] =	vst v2  }
0xe2: {  	v2 =	vand.u32 $0x1FFFF, v3;
	v14 =	vshrl.u32 v3, $0x11;
	v3 =	vld.idx.msk [tilespmem:v1+s1+$0x0], $0xffff  }
0xe3: {  	v15 =	vand.u32 $0x1FFFF, v4;
	v16 =	vshrl.u32 v4, $0x11;
	v4 =	vld.idx.msk [tilespmem:v0+s22+$0x0], $0xffff  }
0xe4: {  	v17 =	vand.u32 $0x1FFFF, v8;
	v18 =	vshrl.u32 v8, $0x11;
	v8 =	vld.idx.msk [tilespmem:v11+s1+$0x0], $0xffff  }
0xe5: {  	v1 =	vand.u32 $0x1FFFF, v9;
	v0 =	vshrl.u32 v9, $0x11;
	v9 =	vld.idx.msk [tilespmem:v10+s22+$0x0], $0xffff  }
0xe6: {  	v10 =	vand.u32 $0x1FFFF, v12;
	v11 =	vshrl.u32 v12, $0x11;
	v5 =	vld.idx.msk [tilespmem:v5+s1+$0x0], $0xffff  }
0xe7: {  	v12 =	vld.idx.msk [tilespmem:v6+s22+$0x0], $0xffff  }
0xe8: {  	v13 =	vld.idx.msk [tilespmem:v13+s1+$0x0], $0xffff  }
0xe9: {  	v4 =	vadd.f32 v4, v3;
	v19 =	vld.idx.msk [tilespmem:v7+s22+$0x0], $0xffff  }
0xea: {  	v2 =	vld.idx.msk [tilespmem:v2+s1+$0x0], $0xffff  }
0xeb: {  	v8 =	vadd.f32 v9, v8;
	v3 =	vld.idx.msk [tilespmem:v10+s1+$0x0], $0xffff;
	[tilespmem:s26+$0xFFFFFFF0] =	vst v4  }
0xec: {  	s26 =	sadd.s32 $0x200, s26;
	v6 =	vld.idx.msk [tilespmem:v11+s22+$0x0], $0xffff  }
.Ltmp8:
0xed: {  	v5 =	vadd.f32 v12, v5;
	v7 =	vld.idx.msk [tilespmem:v14+s22+$0x0], $0xffff;
	[tilespmem:s26+$0x0] =	vst v8;
	(pc) =	sbr.rel @p0 .LBB2_18-.Ltmp8, $4  }
0xee: {  	v4 =	vld.idx.msk [tilespmem:v15+s1+$0x0], $0xffff  }
0xef: {  	v9 =	vadd.f32 v19, v13;
	[tilespmem:s26+$0xFFFFFFA0] =	vst v5;
	v8 =	vld.idx.msk [tilespmem:v16+s22+$0x0], $0xffff  }
0xf0: {  	v5 =	vld.idx.msk [tilespmem:v17+s1+$0x0], $0xffff  }
0xf1: {  	s29 =	sadd.s32 $0x100, s29;
	[tilespmem:s26+$0xFFFFFFB0] =	vst v9;
	v9 =	vld.idx.msk [tilespmem:v18+s22+$0x0], $0xffff  }
0xf2: {  	_ =	sdelay $0x3  }
0xf3: {  	v1 =	vld.idx.msk [tilespmem:v1+s1+$0x0], $0xffff  }
0xf4: {  	v0 =	vld.idx.msk [tilespmem:v0+s22+$0x0], $0xffff  }
0xf5: {  	v3 =	vadd.f32 v6, v3  }
0xf6: {  	v2 =	vadd.f32 v7, v2  }
0xf7: {  	[tilespmem:s26+$0xFFFFFF90] =	vst v3;
	v62 =	vadd.f32 v8, v4  }
0xf8: {  	[tilespmem:s26+$0xFFFFFFC0] =	vst v2;
	v63 =	vadd.f32 v9, v5  }
0xf9: {  	[tilespmem:s26+$0xFFFFFFD0] =	vst v62;
	v0 =	vadd.f32 v0, v1  }
0xfa: {  	s28 =	simm.s32 $0x1AC00;
	[tilespmem:s26+$0xFFFFFFE0] =	vst v63  }
0xfb: {  	s30 =	sadd.s32 $0x0, s11;
	s29 =	simm.s32 $0x1AE00;
	[tilespmem:s26+$0xFFFFFFF0] =	vst v0;
	s26 =	simm.s32 $0x80  }
.LBB2_20:
0xfc: {  	[hbm4b:s30+s1] =	stream.linear.scatter [tilespmem:s28], [sflag:$0x2], $0x80, $0x38;
	[tilespmem:$0x1EB00] =	vst v63  }
0xfd: {  	s30 =	smov.u32 s26;
	s28 =	smov.u32 s29;
	p0 =	sne.s32 s26, $0xF80  }
.Ltmp9:
0xfe: {  	s26 =	sadd.s32 $0x80, s26;
	(pc) =	sbr.rel @p0 .LBB2_20-.Ltmp9, $2  }
0xff: {  	_ =	sdelay $0x2  }
0x100: {  	s29 =	sadd.s32 $0x200, s29;
	s30 =	sadd.s32 s30, s11  }
0x101: {  	[hbm4b:s30+s1] =	stream.linear.scatter [tilespmem:s28], [sflag:$0x2], $0x80, $0x38;
	[tilespmem:$0x1EB00] =	vst v63  }
0x102: {  	_ =	swait.ge [sflag:s23], $0x1000  }
0x103: {  	[sflag:s23] =	ssyncset.done $0x0  }
0x104: {  	s26 =	simm.s32 $0x0;
	s28 =	simm.s32 $0x18B00;
	[sflag:s23] =	ssyncadd.s32 $0xFFFFF000  }
.LBB2_22:
0x105: {  	p0 =	sne.s32 s26, $0x1F0  }
.Ltmp10:
0x106: {  	_ = 	snop;
	(pc) =	sbr.rel @p0 .LBB2_22-.Ltmp10, $4  }
0x107: {  	_ = 	snop  }
0x108: {  	s29 =	sadd.s32 s26, s3  }
0x109: {  	[tilespmem:s28], [sflag:$0x1] =	stream.linear.gather [hbm4b:s29+s1], $0x80, $0x38;
	[tilespmem:$0x1EB00] =	vst v63  }
0x10a: {  	s26 =	sadd.s32 $0x10, s26;
	s28 =	sadd.s32 $0x100, s28  }
0x10b: {  	s26 =	simm.s32 $0x18BF0  }
0x10c: {  	v0 =	vld [tilespmem:s26+$0x0];
	_ =	sdelay $0x1  }
0x10d: {  	v1 =	vld [tilespmem:s26+$0xFFFFFFA0];
	_ =	sdelay $0x1  }
0x10e: {  	v2 =	vld [tilespmem:s26+$0xFFFFFFB0]  }
0x10f: {  	v3 =	vld [tilespmem:s26+$0xFFFFFFC0];
	v4 =	vand.u32 $0x1FFFF, v0  }
0x110: {  	v5 =	vld [tilespmem:s26+$0xFFFFFFD0];
	v0 =	vshrl.u32 v0, $0x11  }
0x111: {  	v7 =	vld [tilespmem:s26+$0xFFFFFF90];
	v6 =	vand.u32 $0x1FFFF, v1  }
0x112: {  	v8 =	vld [tilespmem:s26+$0xFFFFFFE0];
	v1 =	vshrl.u32 v1, $0x11  }
0x113: {  	v9 =	vld [tilespmem:s26+$0xFFFFFFF0];
	v10 =	vand.u32 $0x1FFFF, v2  }
0x114: {  	v2 =	vshrl.u32 v2, $0x11;
	v4 =	vld.idx.msk [tilespmem:v4+s1+$0x0], $0xffff  }
0x115: {  	v11 =	vand.u32 $0x1FFFF, v3;
	v0 =	vld.idx.msk [tilespmem:v0+s22+$0x0], $0xffff  }
0x116: {  	v12 =	vand.u32 $0x1FFFF, v7;
	v13 =	vld.idx.msk [tilespmem:v6+s1+$0x0], $0xffff  }
0x117: {  	v14 =	vand.u32 $0x1FFFF, v5;
	v5 =	vshrl.u32 v5, $0x11;
	v1 =	vld.idx.msk [tilespmem:v1+s22+$0x0], $0xffff  }
0x118: {  	v6 =	vshrl.u32 v7, $0x11;
	v10 =	vld.idx.msk [tilespmem:v10+s1+$0x0], $0xffff  }
0x119: {  	v7 =	vshrl.u32 v3, $0x11;
	v15 =	vld.idx.msk [tilespmem:v2+s22+$0x0], $0xffff  }
0x11a: {  	v2 =	vld.idx.msk [tilespmem:v11+s1+$0x0], $0xffff  }
0x11b: {  	v11 =	vand.u32 $0x1FFFF, v8;
	v3 =	vld.idx.msk [tilespmem:v12+s1+$0x0], $0xffff  }
0x11c: {  	v63 =	vshrl.u32 v8, $0x11;
	v8 =	vld.idx.msk [tilespmem:v5+s22+$0x0], $0xffff  }
0x11d: {  	v6 =	vld.idx.msk [tilespmem:v6+s22+$0x0], $0xffff;
	v0 =	vadd.f32 v0, v4  }
0x11e: {  	s26 =	simm.s32 $0x1ACF0;
	v7 =	vld.idx.msk [tilespmem:v7+s22+$0x0], $0xffff;
	v1 =	vadd.f32 v1, v13  }
0x11f: {  	v4 =	vld.idx.msk [tilespmem:v14+s1+$0x0], $0xffff;
	v10 =	vadd.f32 v15, v10;
	[tilespmem:s26+$0x0] =	vst v0  }
0x120: {  	v5 =	vld.idx.msk [tilespmem:v11+s1+$0x0], $0xffff;
	[tilespmem:s26+$0xFFFFFFA0] =	vst v1  }
0x121: {  	s28 =	simm.s32 $0x0;
	s29 =	simm.s32 $0x18CF0;
	v1 =	vand.u32 $0x1FFFF, v9;
	v0 =	vshrl.u32 v9, $0x11;
	[tilespmem:s26+$0xFFFFFFB0] =	vst v10;
	v9 =	vld.idx.msk [tilespmem:v63+s22+$0x0], $0xffff  }
.LBB2_24:
0x122: {  	v10 =	vld [tilespmem:s29+$0x0];
	v3 =	vadd.f32 v6, v3  }
0x123: {  	s28 =	sadd.s32 $0x8, s28;
	v2 =	vadd.f32 v7, v2;
	v6 =	vld [tilespmem:s29+$0xFFFFFFA0]  }
0x124: {  	p0 =	slt.u32 s28, $0xF8;
	v7 =	vld [tilespmem:s29+$0xFFFFFFB0];
	[tilespmem:s26+$0xFFFFFF90] =	vst v3  }
0x125: {  	v3 =	vld [tilespmem:s29+$0xFFFFFFC0];
	[tilespmem:s26+$0xFFFFFFC0] =	vst v2;
	v2 =	vadd.f32 v8, v4  }
0x126: {  	v4 =	vld [tilespmem:s29+$0xFFFFFFD0]  }
0x127: {  	v8 =	vld [tilespmem:s29+$0xFFFFFFE0];
	v11 =	vand.u32 $0x1FFFF, v10;
	[tilespmem:s26+$0xFFFFFFD0] =	vst v2;
	v2 =	vadd.f32 v9, v5  }
0x128: {  	v10 =	vshrl.u32 v10, $0x11;
	v5 =	vand.u32 $0x1FFFF, v6;
	v6 =	vshrl.u32 v6, $0x11;
	v9 =	vld [tilespmem:s29+$0xFFFFFFF0]  }
0x129: {  	v12 =	vld [tilespmem:s29+$0xFFFFFF90];
	v13 =	vand.u32 $0x1FFFF, v7;
	v7 =	vshrl.u32 v7, $0x11;
	[tilespmem:s26+$0xFFFFFFE0] =	vst v2  }
0x12a: {  	v2 =	vand.u32 $0x1FFFF, v3;
	v14 =	vshrl.u32 v3, $0x11;
	v3 =	vld.idx.msk [tilespmem:v1+s1+$0x0], $0xffff  }
0x12b: {  	v15 =	vand.u32 $0x1FFFF, v4;
	v16 =	vshrl.u32 v4, $0x11;
	v4 =	vld.idx.msk [tilespmem:v0+s22+$0x0], $0xffff  }
0x12c: {  	v17 =	vand.u32 $0x1FFFF, v8;
	v18 =	vshrl.u32 v8, $0x11;
	v8 =	vld.idx.msk [tilespmem:v11+s1+$0x0], $0xffff  }
0x12d: {  	v1 =	vand.u32 $0x1FFFF, v9;
	v0 =	vshrl.u32 v9, $0x11;
	v9 =	vld.idx.msk [tilespmem:v10+s22+$0x0], $0xffff  }
0x12e: {  	v10 =	vand.u32 $0x1FFFF, v12;
	v11 =	vshrl.u32 v12, $0x11;
	v5 =	vld.idx.msk [tilespmem:v5+s1+$0x0], $0xffff  }
0x12f: {  	v12 =	vld.idx.msk [tilespmem:v6+s22+$0x0], $0xffff  }
0x130: {  	v13 =	vld.idx.msk [tilespmem:v13+s1+$0x0], $0xffff  }
0x131: {  	v4 =	vadd.f32 v4, v3;
	v19 =	vld.idx.msk [tilespmem:v7+s22+$0x0], $0xffff  }
0x132: {  	v2 =	vld.idx.msk [tilespmem:v2+s1+$0x0], $0xffff  }
0x133: {  	v8 =	vadd.f32 v9, v8;
	v3 =	vld.idx.msk [tilespmem:v10+s1+$0x0], $0xffff;
	[tilespmem:s26+$0xFFFFFFF0] =	vst v4  }
0x134: {  	s26 =	sadd.s32 $0x200, s26;
	v6 =	vld.idx.msk [tilespmem:v11+s22+$0x0], $0xffff  }
.Ltmp11:
0x135: {  	v5 =	vadd.f32 v12, v5;
	v7 =	vld.idx.msk [tilespmem:v14+s22+$0x0], $0xffff;
	[tilespmem:s26+$0x0] =	vst v8;
	(pc) =	sbr.rel @p0 .LBB2_24-.Ltmp11, $4  }
0x136: {  	v4 =	vld.idx.msk [tilespmem:v15+s1+$0x0], $0xffff  }
0x137: {  	v9 =	vadd.f32 v19, v13;
	[tilespmem:s26+$0xFFFFFFA0] =	vst v5;
	v8 =	vld.idx.msk [tilespmem:v16+s22+$0x0], $0xffff  }
0x138: {  	v5 =	vld.idx.msk [tilespmem:v17+s1+$0x0], $0xffff  }
0x139: {  	s29 =	sadd.s32 $0x100, s29;
	[tilespmem:s26+$0xFFFFFFB0] =	vst v9;
	v9 =	vld.idx.msk [tilespmem:v18+s22+$0x0], $0xffff  }
0x13a: {  	_ =	sdelay $0x3  }
0x13b: {  	v1 =	vld.idx.msk [tilespmem:v1+s1+$0x0], $0xffff  }
0x13c: {  	v0 =	vld.idx.msk [tilespmem:v0+s22+$0x0], $0xffff  }
0x13d: {  	v3 =	vadd.f32 v6, v3  }
0x13e: {  	v2 =	vadd.f32 v7, v2  }
0x13f: {  	[tilespmem:s26+$0xFFFFFF90] =	vst v3;
	v62 =	vadd.f32 v8, v4  }
0x140: {  	[tilespmem:s26+$0xFFFFFFC0] =	vst v2;
	v63 =	vadd.f32 v9, v5  }
0x141: {  	[tilespmem:s26+$0xFFFFFFD0] =	vst v62;
	v0 =	vadd.f32 v0, v1  }
0x142: {  	s28 =	simm.s32 $0x1AC80;
	[tilespmem:s26+$0xFFFFFFE0] =	vst v63  }
0x143: {  	s30 =	sadd.s32 $0x0, s12;
	s29 =	simm.s32 $0x1AE80;
	[tilespmem:s26+$0xFFFFFFF0] =	vst v0;
	s26 =	simm.s32 $0x80  }
.LBB2_26:
0x144: {  	[hbm4b:s30+s1] =	stream.linear.scatter [tilespmem:s28], [sflag:$0x2], $0x80, $0x38;
	[tilespmem:$0x1EB00] =	vst v63  }
0x145: {  	s30 =	smov.u32 s26;
	s28 =	smov.u32 s29;
	p0 =	sne.s32 s26, $0xF80  }
.Ltmp12:
0x146: {  	s26 =	sadd.s32 $0x80, s26;
	(pc) =	sbr.rel @p0 .LBB2_26-.Ltmp12, $2  }
0x147: {  	_ =	sdelay $0x2  }
0x148: {  	s29 =	sadd.s32 $0x200, s29;
	s30 =	sadd.s32 s30, s12  }
0x149: {  	[hbm4b:s30+s1] =	stream.linear.scatter [tilespmem:s28], [sflag:$0x2], $0x80, $0x38;
	[tilespmem:$0x1EB00] =	vst v63  }
0x14a: {  	s26 =	simm.s32 $0x0  }
0x14b: {  	[tilespmem:s26], [sflag:$0x1] =	stream.strided.gather [hbm4b:s13+s20], $0x18700, s21, s20, $0x38;
	[tilespmem:$0x1EB00] =	vst v63  }
0x14c: {  	_ = 	snop  }
0x14d: {  	[tilespmem:s22], [sflag:$0x1] =	stream.strided.gather [hbm4b:s14+s20], $0x400, s21, s20, $0x38;
	[tilespmem:$0x1EB00] =	vst v63  }
0x14e: {  	_ =	swait.ge [sflag:s23], $0x18700  }
0x14f: {  	[sflag:s23] =	ssyncset.done $0x0  }
0x150: {  	[sflag:s23] =	ssyncadd.s32 $0xFFFE7900  }
0x151: {  	_ =	swait.ge [sflag:s23], $0x400  }
0x152: {  	[sflag:s23] =	ssyncset.done $0x0  }
0x153: {  	[sflag:s23] =	ssyncadd.s32 $0xFFFFFC00  }
0x154: {  	_ =	swait.ge [sflag:s23], $0x1000  }
0x155: {  	s28 =	simm.s32 $0x10;
	s30 =	sadd.s32 $0x0, s6;
	[sflag:s23] =	ssyncset.done $0x0  }
0x156: {  	s29 =	simm.s32 $0x18C80;
	s26 =	simm.s32 $0x18B80;
	[sflag:s23] =	ssyncadd.s32 $0xFFFFF000  }
.LBB2_28:
0x157: {  	[tilespmem:s26], [sflag:$0x1] =	stream.linear.gather [hbm4b:s30+s1], $0x80, $0x38;
	[tilespmem:$0x1EB00] =	vst v63  }
0x158: {  	s30 =	smov.u32 s28;
	s26 =	smov.u32 s29;
	p0 =	sne.s32 s28, $0x1F0  }
.Ltmp13:
0x159: {  	s28 =	sadd.s32 $0x10, s28;
	(pc) =	sbr.rel @p0 .LBB2_28-.Ltmp13, $2  }
0x15a: {  	_ =	sdelay $0x2  }
0x15b: {  	s29 =	sadd.s32 $0x100, s29;
	s30 =	sadd.s32 s30, s6  }
0x15c: {  	[tilespmem:s26], [sflag:$0x1] =	stream.linear.gather [hbm4b:s30+s1], $0x80, $0x38;
	[tilespmem:$0x1EB00] =	vst v63  }
0x15d: {  	_ =	swait.ge [sflag:s24], $0x1000  }
0x15e: {  	[sflag:s24] =	ssyncset.done $0x0  }
0x15f: {  	s31 =	simm.s32 $0x18B40;
	[sflag:s24] =	ssyncadd.s32 $0xFFFFF000  }
0x160: {  	v0 =	vld [tilespmem:s31+$0x30];
	_ =	sdelay $0x1  }
0x161: {  	v1 =	vld [tilespmem:s31+$0xFFFFFFD0];
	_ =	sdelay $0x1  }
0x162: {  	v2 =	vld [tilespmem:s31+$0xFFFFFFE0]  }
0x163: {  	v3 =	vld [tilespmem:s31+$0xFFFFFFF0];
	v4 =	vand.u32 $0x1FFFF, v0  }
0x164: {  	v5 =	vld [tilespmem:s31+$0x0];
	v0 =	vshrl.u32 v0, $0x11  }
0x165: {  	v7 =	vld [tilespmem:s31+$0xFFFFFFC0];
	v6 =	vand.u32 $0x1FFFF, v1  }
0x166: {  	v8 =	vld [tilespmem:s31+$0x10];
	v1 =	vshrl.u32 v1, $0x11  }
0x167: {  	v9 =	vld [tilespmem:s31+$0x20];
	v10 =	vand.u32 $0x1FFFF, v2  }
0x168: {  	v2 =	vshrl.u32 v2, $0x11;
	v4 =	vld.idx.msk [tilespmem:v4+s1+$0x0], $0xffff  }
0x169: {  	v11 =	vand.u32 $0x1FFFF, v3;
	v0 =	vld.idx.msk [tilespmem:v0+s22+$0x0], $0xffff  }
0x16a: {  	v12 =	vand.u32 $0x1FFFF, v7;
	v13 =	vld.idx.msk [tilespmem:v6+s1+$0x0], $0xffff  }
0x16b: {  	v14 =	vand.u32 $0x1FFFF, v5;
	v5 =	vshrl.u32 v5, $0x11;
	v1 =	vld.idx.msk [tilespmem:v1+s22+$0x0], $0xffff  }
0x16c: {  	v6 =	vshrl.u32 v7, $0x11;
	v10 =	vld.idx.msk [tilespmem:v10+s1+$0x0], $0xffff  }
0x16d: {  	v7 =	vshrl.u32 v3, $0x11;
	v15 =	vld.idx.msk [tilespmem:v2+s22+$0x0], $0xffff  }
0x16e: {  	v2 =	vld.idx.msk [tilespmem:v11+s1+$0x0], $0xffff  }
0x16f: {  	v11 =	vand.u32 $0x1FFFF, v8;
	v3 =	vld.idx.msk [tilespmem:v12+s1+$0x0], $0xffff  }
0x170: {  	v63 =	vshrl.u32 v8, $0x11;
	v8 =	vld.idx.msk [tilespmem:v5+s22+$0x0], $0xffff  }
0x171: {  	v6 =	vld.idx.msk [tilespmem:v6+s22+$0x0], $0xffff;
	v0 =	vadd.f32 v0, v4  }
0x172: {  	s26 =	simm.s32 $0x1AB40;
	v7 =	vld.idx.msk [tilespmem:v7+s22+$0x0], $0xffff;
	v1 =	vadd.f32 v1, v13  }
0x173: {  	v4 =	vld.idx.msk [tilespmem:v14+s1+$0x0], $0xffff;
	v10 =	vadd.f32 v15, v10;
	[tilespmem:s26+$0x30] =	vst v0  }
0x174: {  	v5 =	vld.idx.msk [tilespmem:v11+s1+$0x0], $0xffff;
	[tilespmem:s26+$0xFFFFFFD0] =	vst v1  }
0x175: {  	s28 =	simm.s32 $0x0;
	s29 =	simm.s32 $0x18C40;
	v1 =	vand.u32 $0x1FFFF, v9;
	v0 =	vshrl.u32 v9, $0x11;
	[tilespmem:s26+$0xFFFFFFE0] =	vst v10;
	v9 =	vld.idx.msk [tilespmem:v63+s22+$0x0], $0xffff  }
.LBB2_30:
0x176: {  	v10 =	vld [tilespmem:s29+$0x30];
	v3 =	vadd.f32 v6, v3  }
0x177: {  	s28 =	sadd.s32 $0x8, s28;
	v2 =	vadd.f32 v7, v2;
	v6 =	vld [tilespmem:s29+$0xFFFFFFD0]  }
0x178: {  	p0 =	slt.u32 s28, $0xF8;
	v7 =	vld [tilespmem:s29+$0xFFFFFFE0];
	[tilespmem:s26+$0xFFFFFFC0] =	vst v3  }
0x179: {  	v3 =	vld [tilespmem:s29+$0xFFFFFFF0];
	[tilespmem:s26+$0xFFFFFFF0] =	vst v2;
	v2 =	vadd.f32 v8, v4  }
0x17a: {  	v4 =	vld [tilespmem:s29+$0x0]  }
0x17b: {  	v8 =	vld [tilespmem:s29+$0x10];
	v11 =	vand.u32 $0x1FFFF, v10;
	[tilespmem:s26+$0x0] =	vst v2;
	v2 =	vadd.f32 v9, v5  }
0x17c: {  	v10 =	vshrl.u32 v10, $0x11;
	v5 =	vand.u32 $0x1FFFF, v6;
	v6 =	vshrl.u32 v6, $0x11;
	v9 =	vld [tilespmem:s29+$0x20]  }
0x17d: {  	v12 =	vld [tilespmem:s29+$0xFFFFFFC0];
	v13 =	vand.u32 $0x1FFFF, v7;
	v7 =	vshrl.u32 v7, $0x11;
	[tilespmem:s26+$0x10] =	vst v2  }
0x17e: {  	v2 =	vand.u32 $0x1FFFF, v3;
	v14 =	vshrl.u32 v3, $0x11;
	v3 =	vld.idx.msk [tilespmem:v1+s1+$0x0], $0xffff  }
0x17f: {  	v15 =	vand.u32 $0x1FFFF, v4;
	v16 =	vshrl.u32 v4, $0x11;
	v4 =	vld.idx.msk [tilespmem:v0+s22+$0x0], $0xffff  }
0x180: {  	v17 =	vand.u32 $0x1FFFF, v8;
	v18 =	vshrl.u32 v8, $0x11;
	v8 =	vld.idx.msk [tilespmem:v11+s1+$0x0], $0xffff  }
0x181: {  	v1 =	vand.u32 $0x1FFFF, v9;
	v0 =	vshrl.u32 v9, $0x11;
	v9 =	vld.idx.msk [tilespmem:v10+s22+$0x0], $0xffff  }
0x182: {  	v10 =	vand.u32 $0x1FFFF, v12;
	v11 =	vshrl.u32 v12, $0x11;
	v5 =	vld.idx.msk [tilespmem:v5+s1+$0x0], $0xffff  }
0x183: {  	v12 =	vld.idx.msk [tilespmem:v6+s22+$0x0], $0xffff  }
0x184: {  	v13 =	vld.idx.msk [tilespmem:v13+s1+$0x0], $0xffff  }
0x185: {  	v4 =	vadd.f32 v4, v3;
	v19 =	vld.idx.msk [tilespmem:v7+s22+$0x0], $0xffff  }
0x186: {  	v2 =	vld.idx.msk [tilespmem:v2+s1+$0x0], $0xffff  }
0x187: {  	v8 =	vadd.f32 v9, v8;
	v3 =	vld.idx.msk [tilespmem:v10+s1+$0x0], $0xffff;
	[tilespmem:s26+$0x20] =	vst v4  }
0x188: {  	s26 =	sadd.s32 $0x200, s26;
	v6 =	vld.idx.msk [tilespmem:v11+s22+$0x0], $0xffff  }
.Ltmp14:
0x189: {  	v5 =	vadd.f32 v12, v5;
	v7 =	vld.idx.msk [tilespmem:v14+s22+$0x0], $0xffff;
	[tilespmem:s26+$0x30] =	vst v8;
	(pc) =	sbr.rel @p0 .LBB2_30-.Ltmp14, $4  }
0x18a: {  	v4 =	vld.idx.msk [tilespmem:v15+s1+$0x0], $0xffff  }
0x18b: {  	v9 =	vadd.f32 v19, v13;
	[tilespmem:s26+$0xFFFFFFD0] =	vst v5;
	v8 =	vld.idx.msk [tilespmem:v16+s22+$0x0], $0xffff  }
0x18c: {  	v5 =	vld.idx.msk [tilespmem:v17+s1+$0x0], $0xffff  }
0x18d: {  	s29 =	sadd.s32 $0x100, s29;
	[tilespmem:s26+$0xFFFFFFE0] =	vst v9;
	v9 =	vld.idx.msk [tilespmem:v18+s22+$0x0], $0xffff  }
0x18e: {  	_ =	sdelay $0x3  }
0x18f: {  	v1 =	vld.idx.msk [tilespmem:v1+s1+$0x0], $0xffff  }
0x190: {  	v0 =	vld.idx.msk [tilespmem:v0+s22+$0x0], $0xffff  }
0x191: {  	v3 =	vadd.f32 v6, v3  }
0x192: {  	v2 =	vadd.f32 v7, v2  }
0x193: {  	[tilespmem:s26+$0xFFFFFFC0] =	vst v3;
	v62 =	vadd.f32 v8, v4  }
0x194: {  	[tilespmem:s26+$0xFFFFFFF0] =	vst v2;
	v63 =	vadd.f32 v9, v5  }
0x195: {  	[tilespmem:s26+$0x0] =	vst v62;
	v0 =	vadd.f32 v0, v1  }
0x196: {  	s28 =	simm.s32 $0x1AB00;
	[tilespmem:s26+$0x10] =	vst v63  }
0x197: {  	s30 =	sadd.s32 $0x0, s15;
	s29 =	simm.s32 $0x1AD00;
	[tilespmem:s26+$0x20] =	vst v0;
	s26 =	simm.s32 $0x80  }
.LBB2_32:
0x198: {  	[hbm4b:s30+s1] =	stream.linear.scatter [tilespmem:s28], [sflag:$0x2], $0x80, $0x38;
	[tilespmem:$0x1EB00] =	vst v63  }
0x199: {  	s30 =	smov.u32 s26;
	s28 =	smov.u32 s29;
	p0 =	sne.s32 s26, $0xF80  }
.Ltmp15:
0x19a: {  	s26 =	sadd.s32 $0x80, s26;
	(pc) =	sbr.rel @p0 .LBB2_32-.Ltmp15, $2  }
0x19b: {  	_ =	sdelay $0x2  }
0x19c: {  	s29 =	sadd.s32 $0x200, s29;
	s30 =	sadd.s32 s30, s15  }
0x19d: {  	[hbm4b:s30+s1] =	stream.linear.scatter [tilespmem:s28], [sflag:$0x2], $0x80, $0x38;
	[tilespmem:$0x1EB00] =	vst v63  }
0x19e: {  	_ =	swait.ge [sflag:s23], $0x1000  }
0x19f: {  	s26 =	simm.s32 $0x18B00;
	s28 =	simm.s32 $0x10;
	[sflag:s23] =	ssyncset.done $0x0  }
0x1a0: {  	s30 =	sadd.s32 $0x0, s8;
	s29 =	simm.s32 $0x18C00;
	[sflag:s23] =	ssyncadd.s32 $0xFFFFF000  }
.LBB2_34:
0x1a1: {  	[tilespmem:s26], [sflag:$0x1] =	stream.linear.gather [hbm4b:s30+s1], $0x80, $0x38;
	[tilespmem:$0x1EB00] =	vst v63  }
0x1a2: {  	s30 =	smov.u32 s28;
	s26 =	smov.u32 s29;
	p0 =	sne.s32 s28, $0x1F0  }
.Ltmp16:
0x1a3: {  	s28 =	sadd.s32 $0x10, s28;
	(pc) =	sbr.rel @p0 .LBB2_34-.Ltmp16, $2  }
0x1a4: {  	_ =	sdelay $0x2  }
0x1a5: {  	s29 =	sadd.s32 $0x100, s29;
	s30 =	sadd.s32 s30, s8  }
0x1a6: {  	[tilespmem:s26], [sflag:$0x1] =	stream.linear.gather [hbm4b:s30+s1], $0x80, $0x38;
	[tilespmem:$0x1EB00] =	vst v63  }
0x1a7: {  	_ =	swait.ge [sflag:s24], $0x1000  }
0x1a8: {  	[sflag:s24] =	ssyncset.done $0x0  }
0x1a9: {  	s31 =	simm.s32 $0x18BF0;
	[sflag:s24] =	ssyncadd.s32 $0xFFFFF000  }
0x1aa: {  	v0 =	vld [tilespmem:s31+$0x0];
	_ =	sdelay $0x1  }
0x1ab: {  	v1 =	vld [tilespmem:s31+$0xFFFFFFA0];
	_ =	sdelay $0x1  }
0x1ac: {  	v2 =	vld [tilespmem:s31+$0xFFFFFFB0]  }
0x1ad: {  	v3 =	vld [tilespmem:s31+$0xFFFFFFC0];
	v4 =	vand.u32 $0x1FFFF, v0  }
0x1ae: {  	v5 =	vld [tilespmem:s31+$0xFFFFFFD0];
	v0 =	vshrl.u32 v0, $0x11  }
0x1af: {  	v7 =	vld [tilespmem:s31+$0xFFFFFF90];
	v6 =	vand.u32 $0x1FFFF, v1  }
0x1b0: {  	v8 =	vld [tilespmem:s31+$0xFFFFFFE0];
	v1 =	vshrl.u32 v1, $0x11  }
0x1b1: {  	v9 =	vld [tilespmem:s31+$0xFFFFFFF0];
	v10 =	vand.u32 $0x1FFFF, v2  }
0x1b2: {  	v2 =	vshrl.u32 v2, $0x11;
	v4 =	vld.idx.msk [tilespmem:v4+s1+$0x0], $0xffff  }
0x1b3: {  	v11 =	vand.u32 $0x1FFFF, v3;
	v0 =	vld.idx.msk [tilespmem:v0+s22+$0x0], $0xffff  }
0x1b4: {  	v12 =	vand.u32 $0x1FFFF, v7;
	v13 =	vld.idx.msk [tilespmem:v6+s1+$0x0], $0xffff  }
0x1b5: {  	v14 =	vand.u32 $0x1FFFF, v5;
	v5 =	vshrl.u32 v5, $0x11;
	v1 =	vld.idx.msk [tilespmem:v1+s22+$0x0], $0xffff  }
0x1b6: {  	v6 =	vshrl.u32 v7, $0x11;
	v10 =	vld.idx.msk [tilespmem:v10+s1+$0x0], $0xffff  }
0x1b7: {  	v7 =	vshrl.u32 v3, $0x11;
	v15 =	vld.idx.msk [tilespmem:v2+s22+$0x0], $0xffff  }
0x1b8: {  	v2 =	vld.idx.msk [tilespmem:v11+s1+$0x0], $0xffff  }
0x1b9: {  	v11 =	vand.u32 $0x1FFFF, v8;
	v3 =	vld.idx.msk [tilespmem:v12+s1+$0x0], $0xffff  }
0x1ba: {  	v63 =	vshrl.u32 v8, $0x11;
	v8 =	vld.idx.msk [tilespmem:v5+s22+$0x0], $0xffff  }
0x1bb: {  	v6 =	vld.idx.msk [tilespmem:v6+s22+$0x0], $0xffff;
	v0 =	vadd.f32 v0, v4  }
0x1bc: {  	s26 =	simm.s32 $0x1ABF0;
	v7 =	vld.idx.msk [tilespmem:v7+s22+$0x0], $0xffff;
	v1 =	vadd.f32 v1, v13  }
0x1bd: {  	v4 =	vld.idx.msk [tilespmem:v14+s1+$0x0], $0xffff;
	v10 =	vadd.f32 v15, v10;
	[tilespmem:s26+$0x0] =	vst v0  }
0x1be: {  	v5 =	vld.idx.msk [tilespmem:v11+s1+$0x0], $0xffff;
	[tilespmem:s26+$0xFFFFFFA0] =	vst v1  }
0x1bf: {  	s28 =	simm.s32 $0x0;
	s29 =	simm.s32 $0x18CF0;
	v1 =	vand.u32 $0x1FFFF, v9;
	v0 =	vshrl.u32 v9, $0x11;
	[tilespmem:s26+$0xFFFFFFB0] =	vst v10;
	v9 =	vld.idx.msk [tilespmem:v63+s22+$0x0], $0xffff  }
.LBB2_36:
0x1c0: {  	v10 =	vld [tilespmem:s29+$0x0];
	v3 =	vadd.f32 v6, v3  }
0x1c1: {  	s28 =	sadd.s32 $0x8, s28;
	v2 =	vadd.f32 v7, v2;
	v6 =	vld [tilespmem:s29+$0xFFFFFFA0]  }
0x1c2: {  	p0 =	slt.u32 s28, $0xF8;
	v7 =	vld [tilespmem:s29+$0xFFFFFFB0];
	[tilespmem:s26+$0xFFFFFF90] =	vst v3  }
0x1c3: {  	v3 =	vld [tilespmem:s29+$0xFFFFFFC0];
	[tilespmem:s26+$0xFFFFFFC0] =	vst v2;
	v2 =	vadd.f32 v8, v4  }
0x1c4: {  	v4 =	vld [tilespmem:s29+$0xFFFFFFD0]  }
0x1c5: {  	v8 =	vld [tilespmem:s29+$0xFFFFFFE0];
	v11 =	vand.u32 $0x1FFFF, v10;
	[tilespmem:s26+$0xFFFFFFD0] =	vst v2;
	v2 =	vadd.f32 v9, v5  }
0x1c6: {  	v10 =	vshrl.u32 v10, $0x11;
	v5 =	vand.u32 $0x1FFFF, v6;
	v6 =	vshrl.u32 v6, $0x11;
	v9 =	vld [tilespmem:s29+$0xFFFFFFF0]  }
0x1c7: {  	v12 =	vld [tilespmem:s29+$0xFFFFFF90];
	v13 =	vand.u32 $0x1FFFF, v7;
	v7 =	vshrl.u32 v7, $0x11;
	[tilespmem:s26+$0xFFFFFFE0] =	vst v2  }
0x1c8: {  	v2 =	vand.u32 $0x1FFFF, v3;
	v14 =	vshrl.u32 v3, $0x11;
	v3 =	vld.idx.msk [tilespmem:v1+s1+$0x0], $0xffff  }
0x1c9: {  	v15 =	vand.u32 $0x1FFFF, v4;
	v16 =	vshrl.u32 v4, $0x11;
	v4 =	vld.idx.msk [tilespmem:v0+s22+$0x0], $0xffff  }
0x1ca: {  	v17 =	vand.u32 $0x1FFFF, v8;
	v18 =	vshrl.u32 v8, $0x11;
	v8 =	vld.idx.msk [tilespmem:v11+s1+$0x0], $0xffff  }
0x1cb: {  	v1 =	vand.u32 $0x1FFFF, v9;
	v0 =	vshrl.u32 v9, $0x11;
	v9 =	vld.idx.msk [tilespmem:v10+s22+$0x0], $0xffff  }
0x1cc: {  	v10 =	vand.u32 $0x1FFFF, v12;
	v11 =	vshrl.u32 v12, $0x11;
	v5 =	vld.idx.msk [tilespmem:v5+s1+$0x0], $0xffff  }
0x1cd: {  	v12 =	vld.idx.msk [tilespmem:v6+s22+$0x0], $0xffff  }
0x1ce: {  	v13 =	vld.idx.msk [tilespmem:v13+s1+$0x0], $0xffff  }
0x1cf: {  	v4 =	vadd.f32 v4, v3;
	v19 =	vld.idx.msk [tilespmem:v7+s22+$0x0], $0xffff  }
0x1d0: {  	v2 =	vld.idx.msk [tilespmem:v2+s1+$0x0], $0xffff  }
0x1d1: {  	v8 =	vadd.f32 v9, v8;
	v3 =	vld.idx.msk [tilespmem:v10+s1+$0x0], $0xffff;
	[tilespmem:s26+$0xFFFFFFF0] =	vst v4  }
0x1d2: {  	s26 =	sadd.s32 $0x200, s26;
	v6 =	vld.idx.msk [tilespmem:v11+s22+$0x0], $0xffff  }
.Ltmp17:
0x1d3: {  	v5 =	vadd.f32 v12, v5;
	v7 =	vld.idx.msk [tilespmem:v14+s22+$0x0], $0xffff;
	[tilespmem:s26+$0x0] =	vst v8;
	(pc) =	sbr.rel @p0 .LBB2_36-.Ltmp17, $4  }
0x1d4: {  	v4 =	vld.idx.msk [tilespmem:v15+s1+$0x0], $0xffff  }
0x1d5: {  	v9 =	vadd.f32 v19, v13;
	[tilespmem:s26+$0xFFFFFFA0] =	vst v5;
	v8 =	vld.idx.msk [tilespmem:v16+s22+$0x0], $0xffff  }
0x1d6: {  	v5 =	vld.idx.msk [tilespmem:v17+s1+$0x0], $0xffff  }
0x1d7: {  	s29 =	sadd.s32 $0x100, s29;
	[tilespmem:s26+$0xFFFFFFB0] =	vst v9;
	v9 =	vld.idx.msk [tilespmem:v18+s22+$0x0], $0xffff  }
0x1d8: {  	_ =	sdelay $0x3  }
0x1d9: {  	v1 =	vld.idx.msk [tilespmem:v1+s1+$0x0], $0xffff  }
0x1da: {  	v0 =	vld.idx.msk [tilespmem:v0+s22+$0x0], $0xffff  }
0x1db: {  	v3 =	vadd.f32 v6, v3  }
0x1dc: {  	v2 =	vadd.f32 v7, v2  }
0x1dd: {  	[tilespmem:s26+$0xFFFFFF90] =	vst v3;
	v62 =	vadd.f32 v8, v4  }
0x1de: {  	[tilespmem:s26+$0xFFFFFFC0] =	vst v2;
	v63 =	vadd.f32 v9, v5  }
0x1df: {  	[tilespmem:s26+$0xFFFFFFD0] =	vst v62;
	v0 =	vadd.f32 v0, v1  }
0x1e0: {  	s28 =	simm.s32 $0x1AB80;
	[tilespmem:s26+$0xFFFFFFE0] =	vst v63  }
0x1e1: {  	s30 =	sadd.s32 $0x0, s16;
	s29 =	simm.s32 $0x1AD80;
	[tilespmem:s26+$0xFFFFFFF0] =	vst v0;
	s26 =	simm.s32 $0x80  }
.LBB2_38:
0x1e2: {  	[hbm4b:s30+s1] =	stream.linear.scatter [tilespmem:s28], [sflag:$0x2], $0x80, $0x38;
	[tilespmem:$0x1EB00] =	vst v63  }
0x1e3: {  	s30 =	smov.u32 s26;
	s28 =	smov.u32 s29;
	p0 =	sne.s32 s26, $0xF80  }
.Ltmp18:
0x1e4: {  	s26 =	sadd.s32 $0x80, s26;
	(pc) =	sbr.rel @p0 .LBB2_38-.Ltmp18, $2  }
0x1e5: {  	_ =	sdelay $0x2  }
0x1e6: {  	s29 =	sadd.s32 $0x200, s29;
	s30 =	sadd.s32 s30, s16  }
0x1e7: {  	[hbm4b:s30+s1] =	stream.linear.scatter [tilespmem:s28], [sflag:$0x2], $0x80, $0x38;
	[tilespmem:$0x1EB00] =	vst v63  }
0x1e8: {  	_ =	swait.ge [sflag:s23], $0x1000  }
0x1e9: {  	s26 =	simm.s32 $0x18B80;
	s28 =	simm.s32 $0x10;
	[sflag:s23] =	ssyncset.done $0x0  }
0x1ea: {  	s30 =	sadd.s32 $0x0, s10;
	s29 =	simm.s32 $0x18C80;
	[sflag:s23] =	ssyncadd.s32 $0xFFFFF000  }
.LBB2_40:
0x1eb: {  	[tilespmem:s26], [sflag:$0x1] =	stream.linear.gather [hbm4b:s30+s1], $0x80, $0x38;
	[tilespmem:$0x1EB00] =	vst v63  }
0x1ec: {  	s30 =	smov.u32 s28;
	s26 =	smov.u32 s29;
	p0 =	sne.s32 s28, $0x1F0  }
.Ltmp19:
0x1ed: {  	s28 =	sadd.s32 $0x10, s28;
	(pc) =	sbr.rel @p0 .LBB2_40-.Ltmp19, $2  }
0x1ee: {  	_ =	sdelay $0x2  }
0x1ef: {  	s29 =	sadd.s32 $0x100, s29;
	s30 =	sadd.s32 s30, s10  }
0x1f0: {  	[tilespmem:s26], [sflag:$0x1] =	stream.linear.gather [hbm4b:s30+s1], $0x80, $0x38;
	[tilespmem:$0x1EB00] =	vst v63  }
0x1f1: {  	_ =	swait.ge [sflag:s24], $0x1000  }
0x1f2: {  	[sflag:s24] =	ssyncset.done $0x0  }
0x1f3: {  	s31 =	simm.s32 $0x18B40;
	[sflag:s24] =	ssyncadd.s32 $0xFFFFF000  }
0x1f4: {  	v0 =	vld [tilespmem:s31+$0x30];
	_ =	sdelay $0x1  }
0x1f5: {  	v1 =	vld [tilespmem:s31+$0xFFFFFFD0];
	_ =	sdelay $0x1  }
0x1f6: {  	v2 =	vld [tilespmem:s31+$0xFFFFFFE0]  }
0x1f7: {  	v3 =	vld [tilespmem:s31+$0xFFFFFFF0];
	v4 =	vand.u32 $0x1FFFF, v0  }
0x1f8: {  	v5 =	vld [tilespmem:s31+$0x0];
	v0 =	vshrl.u32 v0, $0x11  }
0x1f9: {  	v7 =	vld [tilespmem:s31+$0xFFFFFFC0];
	v6 =	vand.u32 $0x1FFFF, v1  }
0x1fa: {  	v8 =	vld [tilespmem:s31+$0x10];
	v1 =	vshrl.u32 v1, $0x11  }
0x1fb: {  	v9 =	vld [tilespmem:s31+$0x20];
	v10 =	vand.u32 $0x1FFFF, v2  }
0x1fc: {  	v2 =	vshrl.u32 v2, $0x11;
	v4 =	vld.idx.msk [tilespmem:v4+s1+$0x0], $0xffff  }
0x1fd: {  	v11 =	vand.u32 $0x1FFFF, v3;
	v0 =	vld.idx.msk [tilespmem:v0+s22+$0x0], $0xffff  }
0x1fe: {  	v12 =	vand.u32 $0x1FFFF, v7;
	v13 =	vld.idx.msk [tilespmem:v6+s1+$0x0], $0xffff  }
0x1ff: {  	v14 =	vand.u32 $0x1FFFF, v5;
	v5 =	vshrl.u32 v5, $0x11;
	v1 =	vld.idx.msk [tilespmem:v1+s22+$0x0], $0xffff  }
0x200: {  	v6 =	vshrl.u32 v7, $0x11;
	v10 =	vld.idx.msk [tilespmem:v10+s1+$0x0], $0xffff  }
0x201: {  	v7 =	vshrl.u32 v3, $0x11;
	v15 =	vld.idx.msk [tilespmem:v2+s22+$0x0], $0xffff  }
0x202: {  	v2 =	vld.idx.msk [tilespmem:v11+s1+$0x0], $0xffff  }
0x203: {  	v11 =	vand.u32 $0x1FFFF, v8;
	v3 =	vld.idx.msk [tilespmem:v12+s1+$0x0], $0xffff  }
0x204: {  	v63 =	vshrl.u32 v8, $0x11;
	v8 =	vld.idx.msk [tilespmem:v5+s22+$0x0], $0xffff  }
0x205: {  	v6 =	vld.idx.msk [tilespmem:v6+s22+$0x0], $0xffff;
	v0 =	vadd.f32 v0, v4  }
0x206: {  	s26 =	simm.s32 $0x1AC70;
	v7 =	vld.idx.msk [tilespmem:v7+s22+$0x0], $0xffff;
	v1 =	vadd.f32 v1, v13  }
0x207: {  	v4 =	vld.idx.msk [tilespmem:v14+s1+$0x0], $0xffff;
	v10 =	vadd.f32 v15, v10;
	[tilespmem:s26+$0x0] =	vst v0  }
0x208: {  	v5 =	vld.idx.msk [tilespmem:v11+s1+$0x0], $0xffff;
	[tilespmem:s26+$0xFFFFFFA0] =	vst v1  }
0x209: {  	s28 =	simm.s32 $0x0;
	s29 =	simm.s32 $0x18C40;
	v1 =	vand.u32 $0x1FFFF, v9;
	v0 =	vshrl.u32 v9, $0x11;
	[tilespmem:s26+$0xFFFFFFB0] =	vst v10;
	v9 =	vld.idx.msk [tilespmem:v63+s22+$0x0], $0xffff  }
.LBB2_42:
0x20a: {  	v10 =	vld [tilespmem:s29+$0x30];
	v3 =	vadd.f32 v6, v3  }
0x20b: {  	s28 =	sadd.s32 $0x8, s28;
	v2 =	vadd.f32 v7, v2;
	v6 =	vld [tilespmem:s29+$0xFFFFFFD0]  }
0x20c: {  	p0 =	slt.u32 s28, $0xF8;
	v7 =	vld [tilespmem:s29+$0xFFFFFFE0];
	[tilespmem:s26+$0xFFFFFF90] =	vst v3  }
0x20d: {  	v3 =	vld [tilespmem:s29+$0xFFFFFFF0];
	[tilespmem:s26+$0xFFFFFFC0] =	vst v2;
	v2 =	vadd.f32 v8, v4  }
0x20e: {  	v4 =	vld [tilespmem:s29+$0x0]  }
0x20f: {  	v8 =	vld [tilespmem:s29+$0x10];
	v11 =	vand.u32 $0x1FFFF, v10;
	[tilespmem:s26+$0xFFFFFFD0] =	vst v2;
	v2 =	vadd.f32 v9, v5  }
0x210: {  	v10 =	vshrl.u32 v10, $0x11;
	v5 =	vand.u32 $0x1FFFF, v6;
	v6 =	vshrl.u32 v6, $0x11;
	v9 =	vld [tilespmem:s29+$0x20]  }
0x211: {  	v12 =	vld [tilespmem:s29+$0xFFFFFFC0];
	v13 =	vand.u32 $0x1FFFF, v7;
	v7 =	vshrl.u32 v7, $0x11;
	[tilespmem:s26+$0xFFFFFFE0] =	vst v2  }
0x212: {  	v2 =	vand.u32 $0x1FFFF, v3;
	v14 =	vshrl.u32 v3, $0x11;
	v3 =	vld.idx.msk [tilespmem:v1+s1+$0x0], $0xffff  }
0x213: {  	v15 =	vand.u32 $0x1FFFF, v4;
	v16 =	vshrl.u32 v4, $0x11;
	v4 =	vld.idx.msk [tilespmem:v0+s22+$0x0], $0xffff  }
0x214: {  	v17 =	vand.u32 $0x1FFFF, v8;
	v18 =	vshrl.u32 v8, $0x11;
	v8 =	vld.idx.msk [tilespmem:v11+s1+$0x0], $0xffff  }
0x215: {  	v1 =	vand.u32 $0x1FFFF, v9;
	v0 =	vshrl.u32 v9, $0x11;
	v9 =	vld.idx.msk [tilespmem:v10+s22+$0x0], $0xffff  }
0x216: {  	v10 =	vand.u32 $0x1FFFF, v12;
	v11 =	vshrl.u32 v12, $0x11;
	v5 =	vld.idx.msk [tilespmem:v5+s1+$0x0], $0xffff  }
0x217: {  	v12 =	vld.idx.msk [tilespmem:v6+s22+$0x0], $0xffff  }
0x218: {  	v13 =	vld.idx.msk [tilespmem:v13+s1+$0x0], $0xffff  }
0x219: {  	v4 =	vadd.f32 v4, v3;
	v19 =	vld.idx.msk [tilespmem:v7+s22+$0x0], $0xffff  }
0x21a: {  	v2 =	vld.idx.msk [tilespmem:v2+s1+$0x0], $0xffff  }
0x21b: {  	v8 =	vadd.f32 v9, v8;
	v3 =	vld.idx.msk [tilespmem:v10+s1+$0x0], $0xffff;
	[tilespmem:s26+$0xFFFFFFF0] =	vst v4  }
0x21c: {  	s26 =	sadd.s32 $0x200, s26;
	v6 =	vld.idx.msk [tilespmem:v11+s22+$0x0], $0xffff  }
.Ltmp20:
0x21d: {  	v5 =	vadd.f32 v12, v5;
	v7 =	vld.idx.msk [tilespmem:v14+s22+$0x0], $0xffff;
	[tilespmem:s26+$0x0] =	vst v8;
	(pc) =	sbr.rel @p0 .LBB2_42-.Ltmp20, $4  }
0x21e: {  	v4 =	vld.idx.msk [tilespmem:v15+s1+$0x0], $0xffff  }
0x21f: {  	v9 =	vadd.f32 v19, v13;
	[tilespmem:s26+$0xFFFFFFA0] =	vst v5;
	v8 =	vld.idx.msk [tilespmem:v16+s22+$0x0], $0xffff  }
0x220: {  	v5 =	vld.idx.msk [tilespmem:v17+s1+$0x0], $0xffff  }
0x221: {  	s29 =	sadd.s32 $0x100, s29;
	[tilespmem:s26+$0xFFFFFFB0] =	vst v9;
	v9 =	vld.idx.msk [tilespmem:v18+s22+$0x0], $0xffff  }
0x222: {  	_ =	sdelay $0x3  }
0x223: {  	v1 =	vld.idx.msk [tilespmem:v1+s1+$0x0], $0xffff  }
0x224: {  	v0 =	vld.idx.msk [tilespmem:v0+s22+$0x0], $0xffff  }
0x225: {  	v3 =	vadd.f32 v6, v3  }
0x226: {  	v2 =	vadd.f32 v7, v2  }
0x227: {  	[tilespmem:s26+$0xFFFFFF90] =	vst v3;
	v62 =	vadd.f32 v8, v4  }
0x228: {  	[tilespmem:s26+$0xFFFFFFC0] =	vst v2;
	v63 =	vadd.f32 v9, v5  }
0x229: {  	[tilespmem:s26+$0xFFFFFFD0] =	vst v62;
	v0 =	vadd.f32 v0, v1  }
0x22a: {  	s28 =	simm.s32 $0x1AC00;
	[tilespmem:s26+$0xFFFFFFE0] =	vst v63  }
0x22b: {  	s30 =	sadd.s32 $0x0, s17;
	s29 =	simm.s32 $0x1AE00;
	[tilespmem:s26+$0xFFFFFFF0] =	vst v0;
	s26 =	simm.s32 $0x80  }
.LBB2_44:
0x22c: {  	[hbm4b:s30+s1] =	stream.linear.scatter [tilespmem:s28], [sflag:$0x2], $0x80, $0x38;
	[tilespmem:$0x1EB00] =	vst v63  }
0x22d: {  	s30 =	smov.u32 s26;
	s28 =	smov.u32 s29;
	p0 =	sne.s32 s26, $0xF80  }
.Ltmp21:
0x22e: {  	s26 =	sadd.s32 $0x80, s26;
	(pc) =	sbr.rel @p0 .LBB2_44-.Ltmp21, $2  }
0x22f: {  	_ =	sdelay $0x2  }
0x230: {  	s29 =	sadd.s32 $0x200, s29;
	s30 =	sadd.s32 s30, s17  }
0x231: {  	[hbm4b:s30+s1] =	stream.linear.scatter [tilespmem:s28], [sflag:$0x2], $0x80, $0x38;
	[tilespmem:$0x1EB00] =	vst v63  }
0x232: {  	_ =	swait.ge [sflag:s23], $0x1000  }
0x233: {  	[sflag:s23] =	ssyncset.done $0x0  }
0x234: {  	[sflag:s23] =	ssyncadd.s32 $0xFFFFF000  }
0x235: {  	_ =	swait.ge [sflag:s24], $0x1000  }
0x236: {  	[sflag:s24] =	ssyncset.done $0x0  }
0x237: {  	s26 =	simm.s32 $0x18BF0;
	[sflag:s24] =	ssyncadd.s32 $0xFFFFF000  }
0x238: {  	v0 =	vld [tilespmem:s26+$0x0];
	_ =	sdelay $0x1  }
0x239: {  	v1 =	vld [tilespmem:s26+$0xFFFFFFA0];
	_ =	sdelay $0x1  }
0x23a: {  	v2 =	vld [tilespmem:s26+$0xFFFFFFB0]  }
0x23b: {  	v3 =	vld [tilespmem:s26+$0xFFFFFFC0];
	v4 =	vand.u32 $0x1FFFF, v0  }
0x23c: {  	v5 =	vld [tilespmem:s26+$0xFFFFFFD0];
	v0 =	vshrl.u32 v0, $0x11  }
0x23d: {  	v7 =	vld [tilespmem:s26+$0xFFFFFF90];
	v6 =	vand.u32 $0x1FFFF, v1  }
0x23e: {  	v8 =	vld [tilespmem:s26+$0xFFFFFFE0];
	v1 =	vshrl.u32 v1, $0x11  }
0x23f: {  	v9 =	vld [tilespmem:s26+$0xFFFFFFF0];
	v10 =	vand.u32 $0x1FFFF, v2  }
0x240: {  	v2 =	vshrl.u32 v2, $0x11;
	v4 =	vld.idx.msk [tilespmem:v4+s1+$0x0], $0xffff  }
0x241: {  	v11 =	vand.u32 $0x1FFFF, v3;
	v0 =	vld.idx.msk [tilespmem:v0+s22+$0x0], $0xffff  }
0x242: {  	v12 =	vand.u32 $0x1FFFF, v7;
	v13 =	vld.idx.msk [tilespmem:v6+s1+$0x0], $0xffff  }
0x243: {  	v14 =	vand.u32 $0x1FFFF, v5;
	v5 =	vshrl.u32 v5, $0x11;
	v1 =	vld.idx.msk [tilespmem:v1+s22+$0x0], $0xffff  }
0x244: {  	v6 =	vshrl.u32 v7, $0x11;
	v10 =	vld.idx.msk [tilespmem:v10+s1+$0x0], $0xffff  }
0x245: {  	v7 =	vshrl.u32 v3, $0x11;
	v15 =	vld.idx.msk [tilespmem:v2+s22+$0x0], $0xffff  }
0x246: {  	v2 =	vld.idx.msk [tilespmem:v11+s1+$0x0], $0xffff  }
0x247: {  	v11 =	vand.u32 $0x1FFFF, v8;
	v3 =	vld.idx.msk [tilespmem:v12+s1+$0x0], $0xffff  }
0x248: {  	v63 =	vshrl.u32 v8, $0x11;
	v8 =	vld.idx.msk [tilespmem:v5+s22+$0x0], $0xffff  }
0x249: {  	v6 =	vld.idx.msk [tilespmem:v6+s22+$0x0], $0xffff;
	v0 =	vadd.f32 v0, v4  }
0x24a: {  	s26 =	simm.s32 $0x1ACF0;
	v7 =	vld.idx.msk [tilespmem:v7+s22+$0x0], $0xffff;
	v1 =	vadd.f32 v1, v13  }
0x24b: {  	v4 =	vld.idx.msk [tilespmem:v14+s1+$0x0], $0xffff;
	v10 =	vadd.f32 v15, v10;
	[tilespmem:s26+$0x0] =	vst v0  }
0x24c: {  	v5 =	vld.idx.msk [tilespmem:v11+s1+$0x0], $0xffff;
	[tilespmem:s26+$0xFFFFFFA0] =	vst v1  }
0x24d: {  	s28 =	simm.s32 $0x0;
	s29 =	simm.s32 $0x18CF0;
	v1 =	vand.u32 $0x1FFFF, v9;
	v0 =	vshrl.u32 v9, $0x11;
	[tilespmem:s26+$0xFFFFFFB0] =	vst v10;
	v9 =	vld.idx.msk [tilespmem:v63+s22+$0x0], $0xffff  }
.LBB2_46:
0x24e: {  	v10 =	vld [tilespmem:s29+$0x0];
	v3 =	vadd.f32 v6, v3  }
0x24f: {  	s28 =	sadd.s32 $0x8, s28;
	v2 =	vadd.f32 v7, v2;
	v6 =	vld [tilespmem:s29+$0xFFFFFFA0]  }
0x250: {  	p0 =	slt.u32 s28, $0xF8;
	v7 =	vld [tilespmem:s29+$0xFFFFFFB0];
	[tilespmem:s26+$0xFFFFFF90] =	vst v3  }
0x251: {  	v3 =	vld [tilespmem:s29+$0xFFFFFFC0];
	[tilespmem:s26+$0xFFFFFFC0] =	vst v2;
	v2 =	vadd.f32 v8, v4  }
0x252: {  	v4 =	vld [tilespmem:s29+$0xFFFFFFD0]  }
0x253: {  	v8 =	vld [tilespmem:s29+$0xFFFFFFE0];
	v11 =	vand.u32 $0x1FFFF, v10;
	[tilespmem:s26+$0xFFFFFFD0] =	vst v2;
	v2 =	vadd.f32 v9, v5  }
0x254: {  	v10 =	vshrl.u32 v10, $0x11;
	v5 =	vand.u32 $0x1FFFF, v6;
	v6 =	vshrl.u32 v6, $0x11;
	v9 =	vld [tilespmem:s29+$0xFFFFFFF0]  }
0x255: {  	v12 =	vld [tilespmem:s29+$0xFFFFFF90];
	v13 =	vand.u32 $0x1FFFF, v7;
	v7 =	vshrl.u32 v7, $0x11;
	[tilespmem:s26+$0xFFFFFFE0] =	vst v2  }
0x256: {  	v2 =	vand.u32 $0x1FFFF, v3;
	v14 =	vshrl.u32 v3, $0x11;
	v3 =	vld.idx.msk [tilespmem:v1+s1+$0x0], $0xffff  }
0x257: {  	v15 =	vand.u32 $0x1FFFF, v4;
	v16 =	vshrl.u32 v4, $0x11;
	v4 =	vld.idx.msk [tilespmem:v0+s22+$0x0], $0xffff  }
0x258: {  	v17 =	vand.u32 $0x1FFFF, v8;
	v18 =	vshrl.u32 v8, $0x11;
	v8 =	vld.idx.msk [tilespmem:v11+s1+$0x0], $0xffff  }
0x259: {  	v1 =	vand.u32 $0x1FFFF, v9;
	v0 =	vshrl.u32 v9, $0x11;
	v9 =	vld.idx.msk [tilespmem:v10+s22+$0x0], $0xffff  }
0x25a: {  	v10 =	vand.u32 $0x1FFFF, v12;
	v11 =	vshrl.u32 v12, $0x11;
	v5 =	vld.idx.msk [tilespmem:v5+s1+$0x0], $0xffff  }
0x25b: {  	v12 =	vld.idx.msk [tilespmem:v6+s22+$0x0], $0xffff  }
0x25c: {  	v13 =	vld.idx.msk [tilespmem:v13+s1+$0x0], $0xffff  }
0x25d: {  	v4 =	vadd.f32 v4, v3;
	v19 =	vld.idx.msk [tilespmem:v7+s22+$0x0], $0xffff  }
0x25e: {  	v2 =	vld.idx.msk [tilespmem:v2+s1+$0x0], $0xffff  }
0x25f: {  	v8 =	vadd.f32 v9, v8;
	v3 =	vld.idx.msk [tilespmem:v10+s1+$0x0], $0xffff;
	[tilespmem:s26+$0xFFFFFFF0] =	vst v4  }
0x260: {  	s26 =	sadd.s32 $0x200, s26;
	v6 =	vld.idx.msk [tilespmem:v11+s22+$0x0], $0xffff  }
.Ltmp22:
0x261: {  	v5 =	vadd.f32 v12, v5;
	v7 =	vld.idx.msk [tilespmem:v14+s22+$0x0], $0xffff;
	[tilespmem:s26+$0x0] =	vst v8;
	(pc) =	sbr.rel @p0 .LBB2_46-.Ltmp22, $4  }
0x262: {  	v4 =	vld.idx.msk [tilespmem:v15+s1+$0x0], $0xffff  }
0x263: {  	v9 =	vadd.f32 v19, v13;
	[tilespmem:s26+$0xFFFFFFA0] =	vst v5;
	v8 =	vld.idx.msk [tilespmem:v16+s22+$0x0], $0xffff  }
0x264: {  	v5 =	vld.idx.msk [tilespmem:v17+s1+$0x0], $0xffff  }
0x265: {  	s29 =	sadd.s32 $0x100, s29;
	[tilespmem:s26+$0xFFFFFFB0] =	vst v9;
	v9 =	vld.idx.msk [tilespmem:v18+s22+$0x0], $0xffff  }
0x266: {  	_ =	sdelay $0x3  }
0x267: {  	v1 =	vld.idx.msk [tilespmem:v1+s1+$0x0], $0xffff  }
0x268: {  	v0 =	vld.idx.msk [tilespmem:v0+s22+$0x0], $0xffff  }
0x269: {  	v3 =	vadd.f32 v6, v3  }
0x26a: {  	v2 =	vadd.f32 v7, v2  }
0x26b: {  	[tilespmem:s26+$0xFFFFFF90] =	vst v3;
	v62 =	vadd.f32 v8, v4  }
0x26c: {  	[tilespmem:s26+$0xFFFFFFC0] =	vst v2;
	v63 =	vadd.f32 v9, v5  }
0x26d: {  	[tilespmem:s26+$0xFFFFFFD0] =	vst v62;
	v0 =	vadd.f32 v0, v1  }
0x26e: {  	s28 =	simm.s32 $0x1AC80;
	[tilespmem:s26+$0xFFFFFFE0] =	vst v63  }
0x26f: {  	s30 =	sadd.s32 $0x0, s18;
	s29 =	simm.s32 $0x1AE80;
	[tilespmem:s26+$0xFFFFFFF0] =	vst v0;
	s26 =	simm.s32 $0x80  }
.LBB2_48:
0x270: {  	[hbm4b:s30+s1] =	stream.linear.scatter [tilespmem:s28], [sflag:$0x2], $0x80, $0x38;
	[tilespmem:$0x1EB00] =	vst v63  }
0x271: {  	s30 =	smov.u32 s26;
	s28 =	smov.u32 s29;
	p0 =	sne.s32 s26, $0xF80  }
.Ltmp23:
0x272: {  	s26 =	sadd.s32 $0x80, s26;
	(pc) =	sbr.rel @p0 .LBB2_48-.Ltmp23, $2  }
0x273: {  	_ =	sdelay $0x2  }
0x274: {  	s29 =	sadd.s32 $0x200, s29;
	s30 =	sadd.s32 s30, s18  }
0x275: {  	[hbm4b:s30+s1] =	stream.linear.scatter [tilespmem:s28], [sflag:$0x2], $0x80, $0x38;
	[tilespmem:$0x1EB00] =	vst v63  }
0x276: {  	_ =	swait.ge [sflag:s24], $0x1000  }
0x277: {  	[sflag:s24] =	ssyncset.done $0x0  }
0x278: {  	[sflag:s24] =	ssyncadd.s32 $0xFFFFF000  }
0x279: {  	_ =	swait.ge [sflag:s24], $0x1000  }
0x27a: {  	[sflag:s24] =	ssyncset.done $0x0  }
0x27b: {  	s25 =	sadd.s32 $0x1, s25;
	[sflag:s24] =	ssyncadd.s32 $0xFFFFF000  }
0x27c: {  	p0 =	sne.s32 s25, s19;
	_ =	swait.ge [sflag:s24], $0x1000  }
.Ltmp24:
0x27d: {  	[sflag:s24] =	ssyncset.done $0x0;
	(pc) =	sbr.rel @p0 .LBB2_1-.Ltmp24, $4  }
0x27e: {  	[sflag:s24] =	ssyncadd.s32 $0xFFFFF000  }
0x27f: {  	_ =	swait.ge [sflag:s24], $0x1000  }
0x280: {  	[sflag:s24] =	ssyncset.done $0x0  }
0x281: {  	[sflag:s24] =	ssyncadd.s32 $0xFFFFF000  }
0x282: {  	_ =	sfence.sel $0x180000  }
0x283: {  	[bflag:$0x0] =	sbarrier.arrive $0xFFFF  }
0x284: {  	p0 =	sne.s32 s2, $0x0;
	_ =	strace $0x90000047  }
0x285: {  	s0 =	sadd.s32 @!p0 $0x100000, s0;
	[bflag:$0x2] =	sbarrier.arrive $0xFFFF  }
0x286: {  	[sflag:s0] =	ssyncadd.tile.s32 @!p0 $0x1;
	_ =	shalt  }
.Lfunc_end2:
_tile_overlayer_lowered:
.L_overlay_start_2:
0x287: {  	(tag) =	ssettag $0x2  }
0x288: {  	s0 =	rddreg [dreg:$0x0];
	s2 =	stileid.u32  }
0x289: {  	s1 =	rddreg [dreg:$0x1];
	p0 =	sne.s32 s2, $0x0  }
0x28a: {  	s3 =	rddreg [dreg:$0x2];
	[bflag:$0x3] =	sbarrier.arrive $0xFFFF;
	s2 =	simm.s32 @!p0 $0x1C03  }
0x28b: {  	[timem:s3], [sflag:s2] =	dma.local @!p0 [hbm:s0], s1  }
0x28c: {  	s0 =	simm.s32 @!p0 $0x3  }
0x28d: {  	_ =	swait.ge @!p0 [sflag:s0], s1  }
0x28e: {  	s1 =	ssub.s32 @!p0 $0x0, s1;
	[sflag:s0] =	ssyncset.done @!p0 $0x0  }
0x28f: {  	[sflag:s0] =	ssyncadd.s32 @!p0 s1  }
0x290: {  	[bflag:$0x3] =	sbarrier.arrive $0xFFFF  }
0x291: {  	_ =	shalt  }

</sc_bundles>
